<compile_context>
chip_gen: v7x
topology: tpu7x:2x2x1
jax: 0.10.2.dev20260603
libtpu: 0.0.44.dev20260713+nightly
codegen_flags: <defaults>
</compile_context>

<pallas_src>
import functools

import jax
import jax.numpy as jnp
from jax import lax
from jax.experimental import pallas as pl
from jax.experimental.pallas import tpu as pltpu
from jax.experimental.pallas import tpu_sc as plsc

N = 10000
D = 128
K = 16
E_MESH = 160000
E_TOT = E_MESH + N * K

NP = 10240
R = 128
C = 1024
NCH = NP // C
BIG = 1e30

NC, NS = 2, 16
EPW = E_TOT // (NC * NS)
CHUNK = 80
NCHUNK = EPW // CHUNK
NA = 10240
RPS = NA // NS



def _knn_body(ptsr_ref, ptst_ref, idx_ref, d_ref):
    pr = ptsr_ref[...]
    sq_r = jnp.sum(pr * pr, axis=1, keepdims=True)
    row0 = pl.program_id(0) * R
    rowg = row0 + lax.broadcasted_iota(jnp.int32, (R, C), 0)
    citer = lax.broadcasted_iota(jnp.int32, (R, C), 1)

    def chunk_dist(j, _):
        pt = ptst_ref[j]
        sq_c = jnp.sum(pt * pt, axis=0, keepdims=True)
        dot = jnp.dot(pr, pt, preferred_element_type=jnp.float32)
        d = (sq_r - 2.0 * dot) + sq_c
        col = j * C + citer
        d_ref[j] = jnp.where((col == rowg) | (col >= N), BIG, d)
        return 0

    lax.fori_loop(0, NCH, chunk_dist, 0)

    m_prev = jnp.full((R, 1), -jnp.inf, jnp.float32)
    i_prev = jnp.full((R, 1), -1, jnp.int32)
    for r in range(K):
        def chunk_scan(j, carry):
            m, i = carry
            d = d_ref[j]
            col = j * C + citer
            keep = (d > m_prev) | ((d == m_prev) & (col > i_prev))
            dm = jnp.where(keep, d, jnp.inf)
            mc = jnp.min(dm, axis=1, keepdims=True)
            ic = jnp.min(jnp.where(dm == mc, col, jnp.int32(NP)),
                         axis=1, keepdims=True)
            better = (mc < m) | ((mc == m) & (ic < i))
            return (jnp.where(better, mc, m), jnp.where(better, ic, i))

        m_prev, i_prev = lax.fori_loop(
            0, NCH, chunk_scan,
            (jnp.full((R, 1), jnp.inf, jnp.float32),
             jnp.full((R, 1), NP, jnp.int32)))
        idx_ref[:, r:r + 1] = i_prev


def _knn_call(pts_pad, pts_tc):
    return pl.pallas_call(
        _knn_body,
        grid=(NP // R,),
        in_specs=[
            pl.BlockSpec((R, 8), lambda i: (i, 0)),
            pl.BlockSpec((NCH, 8, C), lambda i: (0, 0, 0)),
        ],
        out_specs=pl.BlockSpec((R, K), lambda i: (i, 0)),
        out_shape=jax.ShapeDtypeStruct((NP, K), jnp.int32),
        scratch_shapes=[pltpu.VMEM((NCH, R, C), jnp.float32)],
        compiler_params=pltpu.CompilerParams(
            dimension_semantics=("parallel",)),
    )(pts_pad, pts_tc)



def _sc_body(src_hbm, dst_hbm, feat_hbm, zf_hbm, ones_hbm, accf_hbm, accc_hbm,
             src_v, dst_v, rows_v, ones_v, accf_sh, sem):
    c = lax.axis_index("c")
    s = lax.axis_index("s")
    base = c * (E_TOT // NC) + s * EPW
    pltpu.sync_copy(zf_hbm.at[pl.ds(s * RPS, RPS)],
                    accf_sh.at[pl.ds(s * RPS, RPS)])
    pltpu.sync_copy(ones_hbm, ones_v)
    plsc.subcore_barrier()

    @pl.loop(0, NCHUNK)
    def _feat_chunk(k):
        off = base + k * CHUNK
        pltpu.sync_copy(src_hbm.at[pl.ds(off, CHUNK)], src_v)
        pltpu.sync_copy(dst_hbm.at[pl.ds(off, CHUNK)], dst_v.at[0])
        pltpu.async_copy(feat_hbm.at[src_v], rows_v, sem).wait()
        pltpu.sync_copy(rows_v, accf_sh.at[dst_v.at[0]], add=True)

    plsc.subcore_barrier()
    pltpu.sync_copy(accf_sh.at[pl.ds(s * RPS, RPS)],
                    accf_hbm.at[c].at[pl.ds(s * RPS, RPS)])
    pltpu.sync_copy(zf_hbm.at[pl.ds(s * RPS, RPS)],
                    accf_sh.at[pl.ds(s * RPS, RPS)])
    plsc.subcore_barrier()

    @pl.loop(0, NCHUNK)
    def _cnt_chunk(k):
        off = base + k * CHUNK
        pltpu.sync_copy(dst_hbm.at[pl.ds(off, CHUNK)], dst_v.at[0])
        pltpu.sync_copy(ones_v, accf_sh.at[dst_v.at[0]], add=True)

    plsc.subcore_barrier()
    pltpu.sync_copy(accf_sh.at[pl.ds(s * RPS, RPS)],
                    accc_hbm.at[c].at[pl.ds(s * RPS, RPS)])


@functools.cache
def _sc_aggregate_fn():
    mesh = plsc.VectorSubcoreMesh(core_axis_name="c", subcore_axis_name="s",
                                  num_cores=NC, num_subcores=NS)
    return pl.kernel(
        _sc_body,
        out_type=(
            jax.ShapeDtypeStruct((NC, NA, D), jnp.float32),
            jax.ShapeDtypeStruct((NC, NA, D), jnp.float32),
        ),
        mesh=mesh,
        scratch_types=[
            pltpu.VMEM((CHUNK,), jnp.int32),
            pltpu.VMEM((1, CHUNK), jnp.int32),
            pltpu.VMEM((CHUNK, D), jnp.float32),
            pltpu.VMEM((CHUNK, D), jnp.float32),
            pltpu.VMEM_SHARED((NA, D), jnp.float32),
            pltpu.SemaphoreType.DMA,
        ],
    )



TB = 1000


def _final_body(f_ref, a0_ref, a1_ref, c0_ref, c1_ref, wc_ref, wn_ref,
                b_ref, o_ref):
    f = f_ref[...]
    sumf = a0_ref[0] + a1_ref[0]
    cnt = c0_ref[0][:, 0:1] + c1_ref[0][:, 0:1]
    agg = sumf / cnt
    acc = jnp.dot(f, wc_ref[...], preferred_element_type=jnp.float32)
    acc = acc + jnp.dot(agg, wn_ref[...], preferred_element_type=jnp.float32)
    o_ref[...] = jnp.maximum(acc + b_ref[...], 0.0)


def _final_call(features, accf, accc, W_c, W_n, bias):
    return pl.pallas_call(
        _final_body,
        grid=(N // TB,),
        in_specs=[
            pl.BlockSpec((TB, D), lambda i: (i, 0)),
            pl.BlockSpec((1, TB, D), lambda i: (0, i, 0)),
            pl.BlockSpec((1, TB, D), lambda i: (1, i, 0)),
            pl.BlockSpec((1, TB, D), lambda i: (0, i, 0)),
            pl.BlockSpec((1, TB, D), lambda i: (1, i, 0)),
            pl.BlockSpec((D, D), lambda i: (0, 0)),
            pl.BlockSpec((D, D), lambda i: (0, 0)),
            pl.BlockSpec((1, D), lambda i: (0, 0)),
        ],
        out_specs=pl.BlockSpec((TB, D), lambda i: (i, 0)),
        out_shape=jax.ShapeDtypeStruct((N, D), jnp.float32),
    )(features, accf, accf, accc, accc, W_c, W_n, bias)



def kernel(points, features, edge_index, W_c, b_c, W_n, b_n):
    pts_pad = jnp.zeros((NP, 8), jnp.float32).at[:N, :3].set(points)
    pts_tc = pts_pad.T.reshape(8, NCH, C).transpose(1, 0, 2)
    nbr = _knn_call(pts_pad, pts_tc)
    knn_src = nbr[:N].T.reshape(-1)
    knn_dst = jnp.broadcast_to(
        jnp.arange(N, dtype=jnp.int32)[None, :], (K, N)).reshape(-1)
    esrc = jnp.concatenate([edge_index[0].astype(jnp.int32), knn_src])
    edst = jnp.concatenate([edge_index[1].astype(jnp.int32), knn_dst])
    zf = jnp.zeros((NA, D), jnp.float32)
    ones = jnp.ones((CHUNK, D), jnp.float32)
    accf, accc = _sc_aggregate_fn()(esrc, edst, features, zf, ones)
    bias = (b_c + b_n)[None, :]
    return _final_call(features, accf, accc, W_c, W_n, bias)

# --- scband reference (transcript-rebuilt; emitter-appended) ---
"""Pipeline reference for scband-mesh-gnn-77627238908603 (READ-ONLY COPY).

The authoritative reference and input builder live on the scoring server;
editing this copy changes nothing except your own understanding.
"""

import jax, jax.numpy as jnp
import numpy as np

N = 10000
D_FEAT = 128
E_MESH = 160000
K = 16


def setup_inputs(seed: int = 0) -> dict:
    key = jax.random.key(seed)
    ks = jax.random.split(key, 8)
    points = jax.random.normal(ks[0], (N, 3), dtype=jnp.float32)
    features = jax.random.normal(ks[1], (N, D_FEAT), dtype=jnp.float32)
    edge_index = jax.random.randint(ks[2], (2, E_MESH), 0, N, dtype=jnp.int32)
    scale = 1.0 / np.sqrt(D_FEAT)
    W_c = jax.random.normal(ks[3], (D_FEAT, D_FEAT), dtype=jnp.float32) * scale
    b_c = jnp.zeros((D_FEAT,), dtype=jnp.float32)
    W_n = jax.random.normal(ks[4], (D_FEAT, D_FEAT), dtype=jnp.float32) * scale
    b_n = jnp.zeros((D_FEAT,), dtype=jnp.float32)
    return {"points": points, "features": features, "edge_index": edge_index,
            "W_c": W_c, "b_c": b_c, "W_n": W_n, "b_n": b_n}


def knn_graph(points, k):
    # pairwise squared distances, exclude self, top-k nearest -> edges (neighbor -> center)
    sq = jnp.sum(points * points, axis=1)
    dists = sq[:, None] + sq[None, :] - 2.0 * (points @ points.T)
    n = points.shape[0]
    diag = jnp.arange(n)
    dists = dists.at[diag, diag].set(jnp.inf)
    _, nbr_idx = jax.lax.top_k(-dists, k)  # [N, k]
    src = nbr_idx.reshape(-1).astype(jnp.int32)          # neighbors (sources)
    dst = jnp.repeat(jnp.arange(n, dtype=jnp.int32), k)  # center nodes (targets)
    return jnp.stack([src, dst], axis=0)


def reference(points, features, edge_index, W_c, b_c, W_n, b_n):
    # MeshGNN core: knn_graph over points, extend mesh edges, CustomGNN (mean aggr)
    knn_edges = knn_graph(points, K)
    ext = jnp.concatenate([edge_index.astype(jnp.int32), knn_edges], axis=1)
    src, dst = ext[0], ext[1]
    # message: W_n x_j gathered from source nodes
    msgs = features[src] @ W_n + b_n
    # aggr='mean' scatter to destination nodes
    agg_sum = jax.ops.segment_sum(msgs, dst, num_segments=N)
    cnt = jax.ops.segment_sum(jnp.ones_like(dst, dtype=jnp.float32), dst, num_segments=N)
    agg = agg_sum / jnp.maximum(cnt, 1.0)[:, None]
    self_t = features @ W_c + b_c
    out = jax.nn.relu(self_t + agg)
    return out

if __name__ == "__main__":
    import jax
    _d = setup_inputs()
    print(jax.jit(kernel)(*tuple(_d.values())))

</pallas_src>

<mosaic_0001>
#map = affine_map<(d0, d1) -> (0)>
#map1 = affine_map<(d0, d1) -> (0, 0)>
#map2 = affine_map<(d0, d1) -> (0, 0, 0)>
module attributes {stable_mosaic.version = 14 : i64} {
  func.func @_sc_body(%arg0: i32, %arg1: i32, %arg2: memref<320000xi32, #tpu.memory_space<hbm>>, %arg3: memref<320000xi32, #tpu.memory_space<hbm>>, %arg4: memref<10000x128xf32, #tpu.memory_space<hbm>>, %arg5: memref<10240x128xf32, #tpu.memory_space<hbm>>, %arg6: memref<80x128xf32, #tpu.memory_space<hbm>>, %arg7: memref<2x10240x128xf32, #tpu.memory_space<hbm>>, %arg8: memref<2x10240x128xf32, #tpu.memory_space<hbm>>, %arg9: memref<80xi32, #tpu.memory_space<vmem>>, %arg10: memref<1x80xi32, #tpu.memory_space<vmem>>, %arg11: memref<80x128xf32, #tpu.memory_space<vmem>>, %arg12: memref<80x128xf32, #tpu.memory_space<vmem>>, %arg13: memref<10240x128xf32, #tpu.memory_space<vmem_shared>>, %arg14: memref<!tpu.dma_semaphore, #tpu.memory_space<semaphore_mem>>) attributes {dimension_semantics = [#tpu.dimension_semantics<core_parallel>, #tpu.dimension_semantics<subcore_parallel>], iteration_bounds = array<i64: 2, 16>, scalar_prefetch = 0 : i64, scratch_operands = 6 : i64, tpu.core_type = #tpu.core_type<sc_vector_subcore>, window_params = [{transform_indices = #map}, {transform_indices = #map}, {transform_indices = #map1}, {transform_indices = #map1}, {transform_indices = #map1}, {transform_indices = #map2}, {transform_indices = #map2}]} {
    %mul3A = arith.constant 160000 : i32
    %mul3A_0 = arith.muli %arg0, %mul3A : i32
    %mul3A_1 = arith.constant 10000 : i32
    %mul3A_2 = arith.muli %arg1, %mul3A_1 : i32
    %add3A = arith.addi %mul3A_0, %mul3A_2 : i32
    %mul3A_3 = arith.constant 640 : i32
    %mul3A_4 = arith.muli %arg1, %mul3A_3 : i32
    %mul3A_5 = arith.constant 640 : i32
    %mul3A_6 = arith.muli %arg1, %mul3A_5 : i32
    "tpu.region"() ({
      %run_scoped3A = tpu.sem_alloc : memref<!tpu.dma_semaphore, #tpu.memory_space<semaphore_mem>>
      %dma_start3A = arith.constant 0 : i32
      %dma_start3A_31 = tpu.memref_slice %arg13[%mul3A_6, %dma_start3A] : memref<10240x128xf32, #tpu.memory_space<vmem_shared>> -> memref<640x128xf32, #tpu.memory_space<vmem_shared>>
      %dma_start3A_32 = arith.constant 0 : i32
      %dma_start3A_33 = tpu.memref_slice %arg5[%mul3A_4, %dma_start3A_32] : memref<10240x128xf32, #tpu.memory_space<hbm>> -> memref<640x128xf32, #tpu.memory_space<hbm>>
      tpu.enqueue_dma source(%dma_start3A_33 : memref<640x128xf32, #tpu.memory_space<hbm>>) target(%dma_start3A_31 : memref<640x128xf32, #tpu.memory_space<vmem_shared>>) target_semaphore(%run_scoped3A : memref<!tpu.dma_semaphore, #tpu.memory_space<semaphore_mem>>)
      %dma_wait3A = arith.constant 0 : i32
      %dma_wait3A_34 = tpu.memref_slice %arg13[%mul3A_6, %dma_wait3A] : memref<10240x128xf32, #tpu.memory_space<vmem_shared>> -> memref<640x128xf32, #tpu.memory_space<vmem_shared>>
      %dma_wait3A_35 = arith.constant 0 : i32
      %dma_wait3A_36 = tpu.memref_slice %arg5[%mul3A_4, %dma_wait3A_35] : memref<10240x128xf32, #tpu.memory_space<hbm>> -> memref<640x128xf32, #tpu.memory_space<hbm>>
      tpu.wait_dma2 semaphore(%run_scoped3A : memref<!tpu.dma_semaphore, #tpu.memory_space<semaphore_mem>>) src(%dma_wait3A_36 : memref<640x128xf32, #tpu.memory_space<hbm>>) dst(%dma_wait3A_34 : memref<640x128xf32, #tpu.memory_space<vmem_shared>>)
      tpu.yield
    }) : () -> ()
    "tpu.region"() ({
      %run_scoped3A = tpu.sem_alloc : memref<!tpu.dma_semaphore, #tpu.memory_space<semaphore_mem>>
      tpu.enqueue_dma source(%arg6 : memref<80x128xf32, #tpu.memory_space<hbm>>) target(%arg12 : memref<80x128xf32, #tpu.memory_space<vmem>>) target_semaphore(%run_scoped3A : memref<!tpu.dma_semaphore, #tpu.memory_space<semaphore_mem>>)
      tpu.wait_dma2 semaphore(%run_scoped3A : memref<!tpu.dma_semaphore, #tpu.memory_space<semaphore_mem>>) src(%arg6 : memref<80x128xf32, #tpu.memory_space<hbm>>) dst(%arg12 : memref<80x128xf32, #tpu.memory_space<vmem>>)
      tpu.yield
    }) : () -> ()
    %barrier3A = arith.constant 0 : index
    tpu.barrier barrier_id(%barrier3A)
    %scan3A = arith.constant 0 : i32
    %scan3A_7 = arith.constant 125 : i32
    %scan3A_8 = arith.addi %scan3A, %scan3A_7 : i32
    %scan3A_9 = arith.constant 1 : i32
    scf.for %scan3A_31 = %scan3A to %scan3A_8 step %scan3A_9  : i32 {
      %mul3A_32 = arith.constant 1 : i32
      %mul3A_33 = arith.muli %scan3A_31, %mul3A_32 : i32
      %add3A_34 = arith.constant 0 : i32
      %add3A_35 = arith.addi %add3A_34, %mul3A_33 : i32
      %mul3A_36 = arith.constant 80 : i32
      %mul3A_37 = arith.muli %add3A_35, %mul3A_36 : i32
      %add3A_38 = arith.addi %add3A, %mul3A_37 : i32
      "tpu.region"() ({
        %run_scoped3A_44 = tpu.sem_alloc : memref<!tpu.dma_semaphore, #tpu.memory_space<semaphore_mem>>
        %dma_start3A_45 = tpu.memref_slice %arg2[%add3A_38] : memref<320000xi32, #tpu.memory_space<hbm>> -> memref<80xi32, #tpu.memory_space<hbm>>
        %dma_start3A_46 = tpu.memref_slice %arg2[%add3A_38] : memref<320000xi32, #tpu.memory_space<hbm>> -> memref<80xi32, #tpu.memory_space<hbm>>
        tpu.enqueue_dma source(%dma_start3A_46 : memref<80xi32, #tpu.memory_space<hbm>>) target(%arg9 : memref<80xi32, #tpu.memory_space<vmem>>) target_semaphore(%run_scoped3A_44 : memref<!tpu.dma_semaphore, #tpu.memory_space<semaphore_mem>>)
        %dma_wait3A_47 = tpu.memref_slice %arg2[%add3A_38] : memref<320000xi32, #tpu.memory_space<hbm>> -> memref<80xi32, #tpu.memory_space<hbm>>
        %dma_wait3A_48 = tpu.memref_slice %arg2[%add3A_38] : memref<320000xi32, #tpu.memory_space<hbm>> -> memref<80xi32, #tpu.memory_space<hbm>>
        tpu.wait_dma2 semaphore(%run_scoped3A_44 : memref<!tpu.dma_semaphore, #tpu.memory_space<semaphore_mem>>) src(%dma_wait3A_48 : memref<80xi32, #tpu.memory_space<hbm>>) dst(%arg9 : memref<80xi32, #tpu.memory_space<vmem>>)
        tpu.yield
      }) : () -> ()
      %run_scoped3A = arith.constant 0 : i32
      "tpu.region"() ({
        %run_scoped3A_44 = tpu.sem_alloc : memref<!tpu.dma_semaphore, #tpu.memory_space<semaphore_mem>>
        %dma_start3A_45 = arith.constant 0 : i32
        %dma_start3A_46 = tpu.memref_slice %arg10[%run_scoped3A, %dma_start3A_45] : memref<1x80xi32, #tpu.memory_space<vmem>> -> memref<1x80xi32, #tpu.memory_space<vmem>>
        %dma_start3A_47 = tpu.memref_squeeze %dma_start3A_46 : memref<1x80xi32, #tpu.memory_space<vmem>> -> memref<80xi32, #tpu.memory_space<vmem>>
        %dma_start3A_48 = tpu.memref_slice %arg3[%add3A_38] : memref<320000xi32, #tpu.memory_space<hbm>> -> memref<80xi32, #tpu.memory_space<hbm>>
        %dma_start3A_49 = arith.constant 0 : i32
        %dma_start3A_50 = tpu.memref_slice %arg10[%run_scoped3A, %dma_start3A_49] : memref<1x80xi32, #tpu.memory_space<vmem>> -> memref<1x80xi32, #tpu.memory_space<vmem>>
        %dma_start3A_51 = tpu.memref_squeeze %dma_start3A_50 : memref<1x80xi32, #tpu.memory_space<vmem>> -> memref<80xi32, #tpu.memory_space<vmem>>
        %dma_start3A_52 = tpu.memref_slice %arg3[%add3A_38] : memref<320000xi32, #tpu.memory_space<hbm>> -> memref<80xi32, #tpu.memory_space<hbm>>
        tpu.enqueue_dma source(%dma_start3A_52 : memref<80xi32, #tpu.memory_space<hbm>>) target(%dma_start3A_51 : memref<80xi32, #tpu.memory_space<vmem>>) target_semaphore(%run_scoped3A_44 : memref<!tpu.dma_semaphore, #tpu.memory_space<semaphore_mem>>)
        %dma_wait3A_53 = arith.constant 0 : i32
        %dma_wait3A_54 = tpu.memref_slice %arg10[%run_scoped3A, %dma_wait3A_53] : memref<1x80xi32, #tpu.memory_space<vmem>> -> memref<1x80xi32, #tpu.memory_space<vmem>>
        %dma_wait3A_55 = tpu.memref_squeeze %dma_wait3A_54 : memref<1x80xi32, #tpu.memory_space<vmem>> -> memref<80xi32, #tpu.memory_space<vmem>>
        %dma_wait3A_56 = tpu.memref_slice %arg3[%add3A_38] : memref<320000xi32, #tpu.memory_space<hbm>> -> memref<80xi32, #tpu.memory_space<hbm>>
        %dma_wait3A_57 = arith.constant 0 : i32
        %dma_wait3A_58 = tpu.memref_slice %arg10[%run_scoped3A, %dma_wait3A_57] : memref<1x80xi32, #tpu.memory_space<vmem>> -> memref<1x80xi32, #tpu.memory_space<vmem>>
        %dma_wait3A_59 = tpu.memref_squeeze %dma_wait3A_58 : memref<1x80xi32, #tpu.memory_space<vmem>> -> memref<80xi32, #tpu.memory_space<vmem>>
        %dma_wait3A_60 = tpu.memref_slice %arg3[%add3A_38] : memref<320000xi32, #tpu.memory_space<hbm>> -> memref<80xi32, #tpu.memory_space<hbm>>
        tpu.wait_dma2 semaphore(%run_scoped3A_44 : memref<!tpu.dma_semaphore, #tpu.memory_space<semaphore_mem>>) src(%dma_wait3A_60 : memref<80xi32, #tpu.memory_space<hbm>>) dst(%dma_wait3A_59 : memref<80xi32, #tpu.memory_space<vmem>>)
        tpu.yield
      }) : () -> ()
      %dma_start3A = arith.constant 0 : i32
      %dma_start3A_39 = arith.constant 0 : i32
      %dma_start3A_40 = tpu.memref_slice %arg4[%dma_start3A, %dma_start3A_39] : memref<10000x128xf32, #tpu.memory_space<hbm>> -> memref<10000x128xf32, #tpu.memory_space<hbm>>
      tpu.enqueue_indirect_dma source(%dma_start3A_40 : memref<10000x128xf32, #tpu.memory_space<hbm>>) target(%arg11 : memref<80x128xf32, #tpu.memory_space<vmem>>) offsets(%arg9 : memref<80xi32, #tpu.memory_space<vmem>>) semaphore(%arg14 : memref<!tpu.dma_semaphore, #tpu.memory_space<semaphore_mem>>)
      %dma_wait3A = arith.constant 0 : i32
      %dma_wait3A_41 = arith.constant 0 : i32
      %dma_wait3A_42 = tpu.memref_slice %arg4[%dma_wait3A, %dma_wait3A_41] : memref<10000x128xf32, #tpu.memory_space<hbm>> -> memref<10000x128xf32, #tpu.memory_space<hbm>>
      tpu.wait_indirect_dma semaphore(%arg14 : memref<!tpu.dma_semaphore, #tpu.memory_space<semaphore_mem>>) src(%dma_wait3A_42 : memref<10000x128xf32, #tpu.memory_space<hbm>>) dst(%arg11 : memref<80x128xf32, #tpu.memory_space<vmem>>)
      %run_scoped3A_43 = arith.constant 0 : i32
      "tpu.region"() ({
        %run_scoped3A_44 = tpu.sem_alloc : memref<!tpu.dma_semaphore, #tpu.memory_space<semaphore_mem>>
        %dma_start3A_45 = arith.constant 0 : i32
        %dma_start3A_46 = tpu.memref_slice %arg10[%run_scoped3A_43, %dma_start3A_45] : memref<1x80xi32, #tpu.memory_space<vmem>> -> memref<1x80xi32, #tpu.memory_space<vmem>>
        %dma_start3A_47 = tpu.memref_squeeze %dma_start3A_46 : memref<1x80xi32, #tpu.memory_space<vmem>> -> memref<80xi32, #tpu.memory_space<vmem>>
        %dma_start3A_48 = arith.constant 0 : i32
        %dma_start3A_49 = arith.constant 0 : i32
        %dma_start3A_50 = tpu.memref_slice %arg13[%dma_start3A_48, %dma_start3A_49] : memref<10240x128xf32, #tpu.memory_space<vmem_shared>> -> memref<10240x128xf32, #tpu.memory_space<vmem_shared>>
        tpu.enqueue_indirect_dma source(%arg11 : memref<80x128xf32, #tpu.memory_space<vmem>>) target(%dma_start3A_50 : memref<10240x128xf32, #tpu.memory_space<vmem_shared>>) offsets(%dma_start3A_47 : memref<80xi32, #tpu.memory_space<vmem>>) semaphore(%run_scoped3A_44 : memref<!tpu.dma_semaphore, #tpu.memory_space<semaphore_mem>>) {add = true}
        %dma_wait3A_51 = arith.constant 0 : i32
        %dma_wait3A_52 = tpu.memref_slice %arg10[%run_scoped3A_43, %dma_wait3A_51] : memref<1x80xi32, #tpu.memory_space<vmem>> -> memref<1x80xi32, #tpu.memory_space<vmem>>
        %dma_wait3A_53 = tpu.memref_squeeze %dma_wait3A_52 : memref<1x80xi32, #tpu.memory_space<vmem>> -> memref<80xi32, #tpu.memory_space<vmem>>
        %dma_wait3A_54 = arith.constant 0 : i32
        %dma_wait3A_55 = arith.constant 0 : i32
        %dma_wait3A_56 = tpu.memref_slice %arg13[%dma_wait3A_54, %dma_wait3A_55] : memref<10240x128xf32, #tpu.memory_space<vmem_shared>> -> memref<10240x128xf32, #tpu.memory_space<vmem_shared>>
        tpu.wait_indirect_dma semaphore(%run_scoped3A_44 : memref<!tpu.dma_semaphore, #tpu.memory_space<semaphore_mem>>) src(%arg11 : memref<80x128xf32, #tpu.memory_space<vmem>>) dst(%dma_wait3A_56 : memref<10240x128xf32, #tpu.memory_space<vmem_shared>>)
        tpu.yield
      }) : () -> ()
    }
    %scan3A_10 = arith.constant 125 : i32
    %barrier3A_11 = arith.constant 0 : index
    tpu.barrier barrier_id(%barrier3A_11)
    %mul3A_12 = arith.constant 640 : i32
    %mul3A_13 = arith.muli %arg1, %mul3A_12 : i32
    %mul3A_14 = arith.constant 640 : i32
    %mul3A_15 = arith.muli %arg1, %mul3A_14 : i32
    "tpu.region"() ({
      %run_scoped3A = tpu.sem_alloc : memref<!tpu.dma_semaphore, #tpu.memory_space<semaphore_mem>>
      %dma_start3A = arith.constant 0 : i32
      %dma_start3A_31 = arith.constant 0 : i32
      %dma_start3A_32 = tpu.memref_slice %arg7[%arg0, %dma_start3A, %dma_start3A_31] : memref<2x10240x128xf32, #tpu.memory_space<hbm>> -> memref<1x10240x128xf32, #tpu.memory_space<hbm>>
      %dma_start3A_33 = tpu.memref_squeeze %dma_start3A_32 : memref<1x10240x128xf32, #tpu.memory_space<hbm>> -> memref<10240x128xf32, #tpu.memory_space<hbm>>
      %dma_start3A_34 = arith.constant 0 : i32
      %dma_start3A_35 = tpu.memref_slice %dma_start3A_33[%mul3A_15, %dma_start3A_34] : memref<10240x128xf32, #tpu.memory_space<hbm>> -> memref<640x128xf32, #tpu.memory_space<hbm>>
      %dma_start3A_36 = arith.constant 0 : i32
      %dma_start3A_37 = tpu.memref_slice %arg13[%mul3A_13, %dma_start3A_36] : memref<10240x128xf32, #tpu.memory_space<vmem_shared>> -> memref<640x128xf32, #tpu.memory_space<vmem_shared>>
      tpu.enqueue_dma source(%dma_start3A_37 : memref<640x128xf32, #tpu.memory_space<vmem_shared>>) target(%dma_start3A_35 : memref<640x128xf32, #tpu.memory_space<hbm>>) target_semaphore(%run_scoped3A : memref<!tpu.dma_semaphore, #tpu.memory_space<semaphore_mem>>)
      %dma_wait3A = arith.constant 0 : i32
      %dma_wait3A_38 = arith.constant 0 : i32
      %dma_wait3A_39 = tpu.memref_slice %arg7[%arg0, %dma_wait3A, %dma_wait3A_38] : memref<2x10240x128xf32, #tpu.memory_space<hbm>> -> memref<1x10240x128xf32, #tpu.memory_space<hbm>>
      %dma_wait3A_40 = tpu.memref_squeeze %dma_wait3A_39 : memref<1x10240x128xf32, #tpu.memory_space<hbm>> -> memref<10240x128xf32, #tpu.memory_space<hbm>>
      %dma_wait3A_41 = arith.constant 0 : i32
      %dma_wait3A_42 = tpu.memref_slice %dma_wait3A_40[%mul3A_15, %dma_wait3A_41] : memref<10240x128xf32, #tpu.memory_space<hbm>> -> memref<640x128xf32, #tpu.memory_space<hbm>>
      %dma_wait3A_43 = arith.constant 0 : i32
      %dma_wait3A_44 = tpu.memref_slice %arg13[%mul3A_13, %dma_wait3A_43] : memref<10240x128xf32, #tpu.memory_space<vmem_shared>> -> memref<640x128xf32, #tpu.memory_space<vmem_shared>>
      tpu.wait_dma2 semaphore(%run_scoped3A : memref<!tpu.dma_semaphore, #tpu.memory_space<semaphore_mem>>) src(%dma_wait3A_44 : memref<640x128xf32, #tpu.memory_space<vmem_shared>>) dst(%dma_wait3A_42 : memref<640x128xf32, #tpu.memory_space<hbm>>)
      tpu.yield
    }) : () -> ()
    %mul3A_16 = arith.constant 640 : i32
    %mul3A_17 = arith.muli %arg1, %mul3A_16 : i32
    %mul3A_18 = arith.constant 640 : i32
    %mul3A_19 = arith.muli %arg1, %mul3A_18 : i32
    "tpu.region"() ({
      %run_scoped3A = tpu.sem_alloc : memref<!tpu.dma_semaphore, #tpu.memory_space<semaphore_mem>>
      %dma_start3A = arith.constant 0 : i32
      %dma_start3A_31 = tpu.memref_slice %arg13[%mul3A_19, %dma_start3A] : memref<10240x128xf32, #tpu.memory_space<vmem_shared>> -> memref<640x128xf32, #tpu.memory_space<vmem_shared>>
      %dma_start3A_32 = arith.constant 0 : i32
      %dma_start3A_33 = tpu.memref_slice %arg5[%mul3A_17, %dma_start3A_32] : memref<10240x128xf32, #tpu.memory_space<hbm>> -> memref<640x128xf32, #tpu.memory_space<hbm>>
      tpu.enqueue_dma source(%dma_start3A_33 : memref<640x128xf32, #tpu.memory_space<hbm>>) target(%dma_start3A_31 : memref<640x128xf32, #tpu.memory_space<vmem_shared>>) target_semaphore(%run_scoped3A : memref<!tpu.dma_semaphore, #tpu.memory_space<semaphore_mem>>)
      %dma_wait3A = arith.constant 0 : i32
      %dma_wait3A_34 = tpu.memref_slice %arg13[%mul3A_19, %dma_wait3A] : memref<10240x128xf32, #tpu.memory_space<vmem_shared>> -> memref<640x128xf32, #tpu.memory_space<vmem_shared>>
      %dma_wait3A_35 = arith.constant 0 : i32
      %dma_wait3A_36 = tpu.memref_slice %arg5[%mul3A_17, %dma_wait3A_35] : memref<10240x128xf32, #tpu.memory_space<hbm>> -> memref<640x128xf32, #tpu.memory_space<hbm>>
      tpu.wait_dma2 semaphore(%run_scoped3A : memref<!tpu.dma_semaphore, #tpu.memory_space<semaphore_mem>>) src(%dma_wait3A_36 : memref<640x128xf32, #tpu.memory_space<hbm>>) dst(%dma_wait3A_34 : memref<640x128xf32, #tpu.memory_space<vmem_shared>>)
      tpu.yield
    }) : () -> ()
    %barrier3A_20 = arith.constant 0 : index
    tpu.barrier barrier_id(%barrier3A_20)
    %scan3A_21 = arith.constant 0 : i32
    %scan3A_22 = arith.constant 125 : i32
    %scan3A_23 = arith.addi %scan3A_21, %scan3A_22 : i32
    %scan3A_24 = arith.constant 1 : i32
    scf.for %scan3A_31 = %scan3A_21 to %scan3A_23 step %scan3A_24  : i32 {
      %mul3A_32 = arith.constant 1 : i32
      %mul3A_33 = arith.muli %scan3A_31, %mul3A_32 : i32
      %add3A_34 = arith.constant 0 : i32
      %add3A_35 = arith.addi %add3A_34, %mul3A_33 : i32
      %mul3A_36 = arith.constant 80 : i32
      %mul3A_37 = arith.muli %add3A_35, %mul3A_36 : i32
      %add3A_38 = arith.addi %add3A, %mul3A_37 : i32
      %run_scoped3A = arith.constant 0 : i32
      "tpu.region"() ({
        %run_scoped3A_40 = tpu.sem_alloc : memref<!tpu.dma_semaphore, #tpu.memory_space<semaphore_mem>>
        %dma_start3A = arith.constant 0 : i32
        %dma_start3A_41 = tpu.memref_slice %arg10[%run_scoped3A, %dma_start3A] : memref<1x80xi32, #tpu.memory_space<vmem>> -> memref<1x80xi32, #tpu.memory_space<vmem>>
        %dma_start3A_42 = tpu.memref_squeeze %dma_start3A_41 : memref<1x80xi32, #tpu.memory_space<vmem>> -> memref<80xi32, #tpu.memory_space<vmem>>
        %dma_start3A_43 = tpu.memref_slice %arg3[%add3A_38] : memref<320000xi32, #tpu.memory_space<hbm>> -> memref<80xi32, #tpu.memory_space<hbm>>
        %dma_start3A_44 = arith.constant 0 : i32
        %dma_start3A_45 = tpu.memref_slice %arg10[%run_scoped3A, %dma_start3A_44] : memref<1x80xi32, #tpu.memory_space<vmem>> -> memref<1x80xi32, #tpu.memory_space<vmem>>
        %dma_start3A_46 = tpu.memref_squeeze %dma_start3A_45 : memref<1x80xi32, #tpu.memory_space<vmem>> -> memref<80xi32, #tpu.memory_space<vmem>>
        %dma_start3A_47 = tpu.memref_slice %arg3[%add3A_38] : memref<320000xi32, #tpu.memory_space<hbm>> -> memref<80xi32, #tpu.memory_space<hbm>>
        tpu.enqueue_dma source(%dma_start3A_47 : memref<80xi32, #tpu.memory_space<hbm>>) target(%dma_start3A_46 : memref<80xi32, #tpu.memory_space<vmem>>) target_semaphore(%run_scoped3A_40 : memref<!tpu.dma_semaphore, #tpu.memory_space<semaphore_mem>>)
        %dma_wait3A = arith.constant 0 : i32
        %dma_wait3A_48 = tpu.memref_slice %arg10[%run_scoped3A, %dma_wait3A] : memref<1x80xi32, #tpu.memory_space<vmem>> -> memref<1x80xi32, #tpu.memory_space<vmem>>
        %dma_wait3A_49 = tpu.memref_squeeze %dma_wait3A_48 : memref<1x80xi32, #tpu.memory_space<vmem>> -> memref<80xi32, #tpu.memory_space<vmem>>
        %dma_wait3A_50 = tpu.memref_slice %arg3[%add3A_38] : memref<320000xi32, #tpu.memory_space<hbm>> -> memref<80xi32, #tpu.memory_space<hbm>>
        %dma_wait3A_51 = arith.constant 0 : i32
        %dma_wait3A_52 = tpu.memref_slice %arg10[%run_scoped3A, %dma_wait3A_51] : memref<1x80xi32, #tpu.memory_space<vmem>> -> memref<1x80xi32, #tpu.memory_space<vmem>>
        %dma_wait3A_53 = tpu.memref_squeeze %dma_wait3A_52 : memref<1x80xi32, #tpu.memory_space<vmem>> -> memref<80xi32, #tpu.memory_space<vmem>>
        %dma_wait3A_54 = tpu.memref_slice %arg3[%add3A_38] : memref<320000xi32, #tpu.memory_space<hbm>> -> memref<80xi32, #tpu.memory_space<hbm>>
        tpu.wait_dma2 semaphore(%run_scoped3A_40 : memref<!tpu.dma_semaphore, #tpu.memory_space<semaphore_mem>>) src(%dma_wait3A_54 : memref<80xi32, #tpu.memory_space<hbm>>) dst(%dma_wait3A_53 : memref<80xi32, #tpu.memory_space<vmem>>)
        tpu.yield
      }) : () -> ()
      %run_scoped3A_39 = arith.constant 0 : i32
      "tpu.region"() ({
        %run_scoped3A_40 = tpu.sem_alloc : memref<!tpu.dma_semaphore, #tpu.memory_space<semaphore_mem>>
        %dma_start3A = arith.constant 0 : i32
        %dma_start3A_41 = tpu.memref_slice %arg10[%run_scoped3A_39, %dma_start3A] : memref<1x80xi32, #tpu.memory_space<vmem>> -> memref<1x80xi32, #tpu.memory_space<vmem>>
        %dma_start3A_42 = tpu.memref_squeeze %dma_start3A_41 : memref<1x80xi32, #tpu.memory_space<vmem>> -> memref<80xi32, #tpu.memory_space<vmem>>
        %dma_start3A_43 = arith.constant 0 : i32
        %dma_start3A_44 = arith.constant 0 : i32
        %dma_start3A_45 = tpu.memref_slice %arg13[%dma_start3A_43, %dma_start3A_44] : memref<10240x128xf32, #tpu.memory_space<vmem_shared>> -> memref<10240x128xf32, #tpu.memory_space<vmem_shared>>
        tpu.enqueue_indirect_dma source(%arg12 : memref<80x128xf32, #tpu.memory_space<vmem>>) target(%dma_start3A_45 : memref<10240x128xf32, #tpu.memory_space<vmem_shared>>) offsets(%dma_start3A_42 : memref<80xi32, #tpu.memory_space<vmem>>) semaphore(%run_scoped3A_40 : memref<!tpu.dma_semaphore, #tpu.memory_space<semaphore_mem>>) {add = true}
        %dma_wait3A = arith.constant 0 : i32
        %dma_wait3A_46 = tpu.memref_slice %arg10[%run_scoped3A_39, %dma_wait3A] : memref<1x80xi32, #tpu.memory_space<vmem>> -> memref<1x80xi32, #tpu.memory_space<vmem>>
        %dma_wait3A_47 = tpu.memref_squeeze %dma_wait3A_46 : memref<1x80xi32, #tpu.memory_space<vmem>> -> memref<80xi32, #tpu.memory_space<vmem>>
        %dma_wait3A_48 = arith.constant 0 : i32
        %dma_wait3A_49 = arith.constant 0 : i32
        %dma_wait3A_50 = tpu.memref_slice %arg13[%dma_wait3A_48, %dma_wait3A_49] : memref<10240x128xf32, #tpu.memory_space<vmem_shared>> -> memref<10240x128xf32, #tpu.memory_space<vmem_shared>>
        tpu.wait_indirect_dma semaphore(%run_scoped3A_40 : memref<!tpu.dma_semaphore, #tpu.memory_space<semaphore_mem>>) src(%arg12 : memref<80x128xf32, #tpu.memory_space<vmem>>) dst(%dma_wait3A_50 : memref<10240x128xf32, #tpu.memory_space<vmem_shared>>)
        tpu.yield
      }) : () -> ()
    }
    %scan3A_25 = arith.constant 125 : i32
    %barrier3A_26 = arith.constant 0 : index
    tpu.barrier barrier_id(%barrier3A_26)
    %mul3A_27 = arith.constant 640 : i32
    %mul3A_28 = arith.muli %arg1, %mul3A_27 : i32
    %mul3A_29 = arith.constant 640 : i32
    %mul3A_30 = arith.muli %arg1, %mul3A_29 : i32
    "tpu.region"() ({
      %run_scoped3A = tpu.sem_alloc : memref<!tpu.dma_semaphore, #tpu.memory_space<semaphore_mem>>
      %dma_start3A = arith.constant 0 : i32
      %dma_start3A_31 = arith.constant 0 : i32
      %dma_start3A_32 = tpu.memref_slice %arg8[%arg0, %dma_start3A, %dma_start3A_31] : memref<2x10240x128xf32, #tpu.memory_space<hbm>> -> memref<1x10240x128xf32, #tpu.memory_space<hbm>>
      %dma_start3A_33 = tpu.memref_squeeze %dma_start3A_32 : memref<1x10240x128xf32, #tpu.memory_space<hbm>> -> memref<10240x128xf32, #tpu.memory_space<hbm>>
      %dma_start3A_34 = arith.constant 0 : i32
      %dma_start3A_35 = tpu.memref_slice %dma_start3A_33[%mul3A_30, %dma_start3A_34] : memref<10240x128xf32, #tpu.memory_space<hbm>> -> memref<640x128xf32, #tpu.memory_space<hbm>>
      %dma_start3A_36 = arith.constant 0 : i32
      %dma_start3A_37 = tpu.memref_slice %arg13[%mul3A_28, %dma_start3A_36] : memref<10240x128xf32, #tpu.memory_space<vmem_shared>> -> memref<640x128xf32, #tpu.memory_space<vmem_shared>>
      tpu.enqueue_dma source(%dma_start3A_37 : memref<640x128xf32, #tpu.memory_space<vmem_shared>>) target(%dma_start3A_35 : memref<640x128xf32, #tpu.memory_space<hbm>>) target_semaphore(%run_scoped3A : memref<!tpu.dma_semaphore, #tpu.memory_space<semaphore_mem>>)
      %dma_wait3A = arith.constant 0 : i32
      %dma_wait3A_38 = arith.constant 0 : i32
      %dma_wait3A_39 = tpu.memref_slice %arg8[%arg0, %dma_wait3A, %dma_wait3A_38] : memref<2x10240x128xf32, #tpu.memory_space<hbm>> -> memref<1x10240x128xf32, #tpu.memory_space<hbm>>
      %dma_wait3A_40 = tpu.memref_squeeze %dma_wait3A_39 : memref<1x10240x128xf32, #tpu.memory_space<hbm>> -> memref<10240x128xf32, #tpu.memory_space<hbm>>
      %dma_wait3A_41 = arith.constant 0 : i32
      %dma_wait3A_42 = tpu.memref_slice %dma_wait3A_40[%mul3A_30, %dma_wait3A_41] : memref<10240x128xf32, #tpu.memory_space<hbm>> -> memref<640x128xf32, #tpu.memory_space<hbm>>
      %dma_wait3A_43 = arith.constant 0 : i32
      %dma_wait3A_44 = tpu.memref_slice %arg13[%mul3A_28, %dma_wait3A_43] : memref<10240x128xf32, #tpu.memory_space<vmem_shared>> -> memref<640x128xf32, #tpu.memory_space<vmem_shared>>
      tpu.wait_dma2 semaphore(%run_scoped3A : memref<!tpu.dma_semaphore, #tpu.memory_space<semaphore_mem>>) src(%dma_wait3A_44 : memref<640x128xf32, #tpu.memory_space<vmem_shared>>) dst(%dma_wait3A_42 : memref<640x128xf32, #tpu.memory_space<hbm>>)
      tpu.yield
    }) : () -> ()
    return
  }
}

module attributes {stable_mosaic.version = 14 : i64} {
  func.func @_knn_body(%arg0: i32, %arg1: memref<128x8xf32, #tpu.memory_space<vmem>>, %arg2: memref<10x8x1024xf32, #tpu.memory_space<vmem>>, %arg3: memref<128x16xi32, #tpu.memory_space<vmem>>, %arg4: memref<10x128x1024xf32, #tpu.memory_space<vmem>>) attributes {dimension_semantics = [#tpu.dimension_semantics<parallel>], iteration_bounds = array<i64: 80>, scalar_prefetch = 0 : i64, scratch_operands = 1 : i64, tpu.core_type = #tpu.core_type<tc>, window_params = [{transform_indices = @transform_0, window_bounds = array<i64: 128, 8>}, {pipeline_mode = #tpu.pipeline_mode<synchronous>, transform_indices = @transform_1, window_bounds = array<i64: 10, 8, 1024>}, {transform_indices = @transform_2, window_bounds = array<i64: 128, 16>}]} {
    %get3A = arith.constant 0 : index
    %get3A_0 = arith.constant 0 : index
    %get3A_1 = vector.load %arg1[%get3A, %get3A_0] : memref<128x8xf32, #tpu.memory_space<vmem>>, vector<128x8xf32>
    %mul3A = arith.mulf %get3A_1, %get3A_1 : vector<128x8xf32>
    %reduce_sum3A = arith.constant dense<0.000000e+00> : vector<128xf32>
    %reduce_sum3A_2 = vector.multi_reduction <add>, %mul3A, %reduce_sum3A [1] : vector<128x8xf32> to vector<128xf32>
    %broadcast_in_dim3A = vector.shape_cast %reduce_sum3A_2 : vector<128xf32> to vector<128x1xf32>
    %mul3A_3 = arith.constant 128 : i32
    %mul3A_4 = arith.muli %arg0, %mul3A_3 : i32
    %iota3A = tpu.iota {dimensions = array<i32: 0>} : vector<128x1024xi32>
    %add3A = vector.broadcast %mul3A_4 : i32 to vector<128x1024xi32>
    %add3A_5 = arith.addi %add3A, %iota3A : vector<128x1024xi32>
    %iota3A_6 = tpu.iota {dimensions = array<i32: 1>} : vector<128x1024xi32>
    %scan3A = arith.constant 0 : i32
    %scan3A_7 = arith.constant 10 : i32
    %scan3A_8 = arith.addi %scan3A, %scan3A_7 : i32
    %scan3A_9 = arith.constant 1 : i32
    scf.for %scan3A_222 = %scan3A to %scan3A_8 step %scan3A_9  : i32 {
      %get3A_223 = arith.index_cast %scan3A_222 : i32 to index
      %get3A_224 = arith.constant 0 : index
      %get3A_225 = arith.constant 0 : index
      %get3A_226 = vector.load %arg2[%get3A_223, %get3A_224, %get3A_225] : memref<10x8x1024xf32, #tpu.memory_space<vmem>>, vector<1x8x1024xf32>
      %get3A_227 = vector.shape_cast %get3A_226 : vector<1x8x1024xf32> to vector<8x1024xf32>
      %mul3A_228 = arith.mulf %get3A_227, %get3A_227 : vector<8x1024xf32>
      %reduce_sum3A_229 = arith.constant dense<0.000000e+00> : vector<1024xf32>
      %reduce_sum3A_230 = vector.multi_reduction <add>, %mul3A_228, %reduce_sum3A_229 [0] : vector<8x1024xf32> to vector<1024xf32>
      %broadcast_in_dim3A_231 = vector.shape_cast %reduce_sum3A_230 : vector<1024xf32> to vector<1x1024xf32>
      %dot_general3A = arith.constant dense<0.000000e+00> : vector<128x1024xf32>
      %dot_general3A_232 = tpu.matmul %get3A_1, %get3A_227, %dot_general3A {dimension_numbers = #tpu.dot_dimension_numbers<[1], [0], [0], [1], [0, 0, 1, 1], [], []>, transpose_lhs_hint = false} : vector<128x8xf32>, vector<8x1024xf32>, vector<128x1024xf32> -> vector<128x1024xf32>
      %mul3A_233 = arith.constant 2.000000e+00 : f32
      %mul3A_234 = vector.broadcast %mul3A_233 : f32 to vector<128x1024xf32>
      %mul3A_235 = arith.mulf %mul3A_234, %dot_general3A_232 : vector<128x1024xf32>
      %sub3A = vector.broadcast %broadcast_in_dim3A : vector<128x1xf32> to vector<128x1024xf32>
      %sub3A_236 = arith.subf %sub3A, %mul3A_235 : vector<128x1024xf32>
      %add3A_237 = vector.broadcast %broadcast_in_dim3A_231 : vector<1x1024xf32> to vector<128x1024xf32>
      %add3A_238 = arith.addf %sub3A_236, %add3A_237 : vector<128x1024xf32>
      %mul3A_239 = arith.constant 1024 : i32
      %mul3A_240 = arith.muli %scan3A_222, %mul3A_239 : i32
      %add3A_241 = vector.broadcast %mul3A_240 : i32 to vector<128x1024xi32>
      %add3A_242 = arith.addi %add3A_241, %iota3A_6 : vector<128x1024xi32>
      %eq3A = arith.cmpi eq, %add3A_242, %add3A_5 : vector<128x1024xi32>
      %ge3A = arith.constant 10000 : i32
      %ge3A_243 = vector.broadcast %ge3A : i32 to vector<128x1024xi32>
      %ge3A_244 = arith.cmpi sge, %add3A_242, %ge3A_243 : vector<128x1024xi32>
      %or3A = arith.ori %eq3A, %ge3A_244 : vector<128x1024xi1>
      %jit3A = arith.constant 1.000000e+30 : f32
      %broadcast_in_dim3A_245 = vector.broadcast %jit3A : f32 to vector<128x1024xf32>
      %select_n3A = arith.select %or3A, %broadcast_in_dim3A_245, %add3A_238 : vector<128x1024xi1>, vector<128x1024xf32>
      %swap3A_246 = arith.index_cast %scan3A_222 : i32 to index
      %swap3A_247 = arith.constant 0 : index
      %swap3A_248 = arith.constant 0 : index
      %swap3A_249 = vector.load %arg4[%swap3A_246, %swap3A_247, %swap3A_248] : memref<10x128x1024xf32, #tpu.memory_space<vmem>>, vector<1x128x1024xf32>
      %swap3A_250 = vector.shape_cast %swap3A_249 : vector<1x128x1024xf32> to vector<128x1024xf32>
      %swap3A_251 = vector.shape_cast %select_n3A : vector<128x1024xf32> to vector<1x128x1024xf32>
      tpu.vector_store %arg4[%swap3A_246, %swap3A_247, %swap3A_248], %swap3A_251 {strides = array<i32>} : memref<10x128x1024xf32, #tpu.memory_space<vmem>>, vector<1x128x1024xf32>,
    }
    %scan3A_10 = arith.constant 10 : i32
    %broadcast_in_dim3A_11 = arith.constant 0xFF800000 : f32
    %broadcast_in_dim3A_12 = vector.broadcast %broadcast_in_dim3A_11 : f32 to vector<128x1xf32>
    %broadcast_in_dim3A_13 = arith.constant -1 : i32
    %broadcast_in_dim3A_14 = vector.broadcast %broadcast_in_dim3A_13 : i32 to vector<128x1xi32>
    %broadcast_in_dim3A_15 = arith.constant 0x7F800000 : f32
    %broadcast_in_dim3A_16 = vector.broadcast %broadcast_in_dim3A_15 : f32 to vector<128x1xf32>
    %broadcast_in_dim3A_17 = arith.constant 10240 : i32
    %broadcast_in_dim3A_18 = vector.broadcast %broadcast_in_dim3A_17 : i32 to vector<128x1xi32>
    %scan3A_19 = arith.constant 0 : i32
    %scan3A_20 = arith.constant 10 : i32
    %scan3A_21 = arith.addi %scan3A_19, %scan3A_20 : i32
    %scan3A_22 = arith.constant 1 : i32
    %scan3A_23:2 = scf.for %scan3A_222 = %scan3A_19 to %scan3A_21 step %scan3A_22 iter_args(%scan3A_223 = %broadcast_in_dim3A_16, %scan3A_224 = %broadcast_in_dim3A_18) -> (vector<128x1xf32>, vector<128x1xi32>)  : i32 {
      %get3A_225 = arith.index_cast %scan3A_222 : i32 to index
      %get3A_226 = arith.constant 0 : index
      %get3A_227 = arith.constant 0 : index
      %get3A_228 = vector.load %arg4[%get3A_225, %get3A_226, %get3A_227] : memref<10x128x1024xf32, #tpu.memory_space<vmem>>, vector<1x128x1024xf32>
      %get3A_229 = vector.shape_cast %get3A_228 : vector<1x128x1024xf32> to vector<128x1024xf32>
      %mul3A_230 = arith.constant 1024 : i32
      %mul3A_231 = arith.muli %scan3A_222, %mul3A_230 : i32
      %add3A_232 = vector.broadcast %mul3A_231 : i32 to vector<128x1024xi32>
      %add3A_233 = arith.addi %add3A_232, %iota3A_6 : vector<128x1024xi32>
      %gt3A = vector.broadcast %broadcast_in_dim3A_12 : vector<128x1xf32> to vector<128x1024xf32>
      %gt3A_234 = arith.cmpf ogt, %get3A_229, %gt3A : vector<128x1024xf32>
      %eq3A = vector.broadcast %broadcast_in_dim3A_12 : vector<128x1xf32> to vector<128x1024xf32>
      %eq3A_235 = arith.cmpf oeq, %get3A_229, %eq3A : vector<128x1024xf32>
      %gt3A_236 = vector.broadcast %broadcast_in_dim3A_14 : vector<128x1xi32> to vector<128x1024xi32>
      %gt3A_237 = arith.cmpi sgt, %add3A_233, %gt3A_236 : vector<128x1024xi32>
      %and3A = arith.andi %eq3A_235, %gt3A_237 : vector<128x1024xi1>
      %or3A = arith.ori %gt3A_234, %and3A : vector<128x1024xi1>
      %jit3A = arith.constant 0x7F800000 : f32
      %broadcast_in_dim3A_238 = vector.broadcast %jit3A : f32 to vector<128x1024xf32>
      %select_n3A = arith.select %or3A, %get3A_229, %broadcast_in_dim3A_238 : vector<128x1024xi1>, vector<128x1024xf32>
      %reduce_min3A = arith.constant dense<0x7F800000> : vector<128xf32>
      %reduce_min3A_239 = vector.multi_reduction <minimumf>, %select_n3A, %reduce_min3A [1] : vector<128x1024xf32> to vector<128xf32>
      %broadcast_in_dim3A_240 = vector.shape_cast %reduce_min3A_239 : vector<128xf32> to vector<128x1xf32>
      %eq3A_241 = vector.broadcast %broadcast_in_dim3A_240 : vector<128x1xf32> to vector<128x1024xf32>
      %eq3A_242 = arith.cmpf oeq, %select_n3A, %eq3A_241 : vector<128x1024xf32>
      %jit3A_243 = arith.constant 10240 : i32
      %broadcast_in_dim3A_244 = vector.broadcast %jit3A_243 : i32 to vector<128x1024xi32>
      %select_n3A_245 = arith.select %eq3A_242, %add3A_233, %broadcast_in_dim3A_244 : vector<128x1024xi1>, vector<128x1024xi32>
      %reduce_min3A_246 = arith.constant dense<2147483647> : vector<128xi32>
      %reduce_min3A_247 = vector.multi_reduction <minsi>, %select_n3A_245, %reduce_min3A_246 [1] : vector<128x1024xi32> to vector<128xi32>
      %broadcast_in_dim3A_248 = vector.shape_cast %reduce_min3A_247 : vector<128xi32> to vector<128x1xi32>
      %lt3A = arith.cmpf olt, %broadcast_in_dim3A_240, %scan3A_223 : vector<128x1xf32>
      %eq3A_249 = arith.cmpf oeq, %broadcast_in_dim3A_240, %scan3A_223 : vector<128x1xf32>
      %lt3A_250 = arith.cmpi slt, %broadcast_in_dim3A_248, %scan3A_224 : vector<128x1xi32>
      %and3A_251 = arith.andi %eq3A_249, %lt3A_250 : vector<128x1xi1>
      %or3A_252 = arith.ori %lt3A, %and3A_251 : vector<128x1xi1>
      %select_n3A_253 = arith.select %or3A_252, %broadcast_in_dim3A_240, %scan3A_223 : vector<128x1xi1>, vector<128x1xf32>
      %select_n3A_254 = arith.select %or3A_252, %broadcast_in_dim3A_248, %scan3A_224 : vector<128x1xi1>, vector<128x1xi32>
      scf.yield %select_n3A_253, %select_n3A_254 : vector<128x1xf32>, vector<128x1xi32>
    }
    %scan3A_24 = arith.constant 10 : i32
    %swap3A = arith.constant 0 : index
    %swap3A_25 = arith.constant 0 : index
    %swap3A_26 = vector.load %arg3[%swap3A, %swap3A_25] : memref<128x16xi32, #tpu.memory_space<vmem>>, vector<128x1xi32>
    tpu.vector_store %arg3[%swap3A, %swap3A_25], %scan3A_23#1 {strides = array<i32>} : memref<128x16xi32, #tpu.memory_space<vmem>>, vector<128x1xi32>,
    %broadcast_in_dim3A_27 = arith.constant 0x7F800000 : f32
    %broadcast_in_dim3A_28 = vector.broadcast %broadcast_in_dim3A_27 : f32 to vector<128x1xf32>
    %broadcast_in_dim3A_29 = arith.constant 10240 : i32
    %broadcast_in_dim3A_30 = vector.broadcast %broadcast_in_dim3A_29 : i32 to vector<128x1xi32>
    %scan3A_31 = arith.constant 0 : i32
    %scan3A_32 = arith.constant 10 : i32
    %scan3A_33 = arith.addi %scan3A_31, %scan3A_32 : i32
    %scan3A_34 = arith.constant 1 : i32
    %scan3A_35:2 = scf.for %scan3A_222 = %scan3A_31 to %scan3A_33 step %scan3A_34 iter_args(%scan3A_223 = %broadcast_in_dim3A_28, %scan3A_224 = %broadcast_in_dim3A_30) -> (vector<128x1xf32>, vector<128x1xi32>)  : i32 {
      %get3A_225 = arith.index_cast %scan3A_222 : i32 to index
      %get3A_226 = arith.constant 0 : index
      %get3A_227 = arith.constant 0 : index
      %get3A_228 = vector.load %arg4[%get3A_225, %get3A_226, %get3A_227] : memref<10x128x1024xf32, #tpu.memory_space<vmem>>, vector<1x128x1024xf32>
      %get3A_229 = vector.shape_cast %get3A_228 : vector<1x128x1024xf32> to vector<128x1024xf32>
      %mul3A_230 = arith.constant 1024 : i32
      %mul3A_231 = arith.muli %scan3A_222, %mul3A_230 : i32
      %add3A_232 = vector.broadcast %mul3A_231 : i32 to vector<128x1024xi32>
      %add3A_233 = arith.addi %add3A_232, %iota3A_6 : vector<128x1024xi32>
      %gt3A = vector.broadcast %scan3A_23#0 : vector<128x1xf32> to vector<128x1024xf32>
      %gt3A_234 = arith.cmpf ogt, %get3A_229, %gt3A : vector<128x1024xf32>
      %eq3A = vector.broadcast %scan3A_23#0 : vector<128x1xf32> to vector<128x1024xf32>
      %eq3A_235 = arith.cmpf oeq, %get3A_229, %eq3A : vector<128x1024xf32>
      %gt3A_236 = vector.broadcast %scan3A_23#1 : vector<128x1xi32> to vector<128x1024xi32>
      %gt3A_237 = arith.cmpi sgt, %add3A_233, %gt3A_236 : vector<128x1024xi32>
      %and3A = arith.andi %eq3A_235, %gt3A_237 : vector<128x1024xi1>
      %or3A = arith.ori %gt3A_234, %and3A : vector<128x1024xi1>
      %jit3A = arith.constant 0x7F800000 : f32
      %broadcast_in_dim3A_238 = vector.broadcast %jit3A : f32 to vector<128x1024xf32>
      %select_n3A = arith.select %or3A, %get3A_229, %broadcast_in_dim3A_238 : vector<128x1024xi1>, vector<128x1024xf32>
      %reduce_min3A = arith.constant dense<0x7F800000> : vector<128xf32>
      %reduce_min3A_239 = vector.multi_reduction <minimumf>, %select_n3A, %reduce_min3A [1] : vector<128x1024xf32> to vector<128xf32>
      %broadcast_in_dim3A_240 = vector.shape_cast %reduce_min3A_239 : vector<128xf32> to vector<128x1xf32>
      %eq3A_241 = vector.broadcast %broadcast_in_dim3A_240 : vector<128x1xf32> to vector<128x1024xf32>
      %eq3A_242 = arith.cmpf oeq, %select_n3A, %eq3A_241 : vector<128x1024xf32>
      %jit3A_243 = arith.constant 10240 : i32
      %broadcast_in_dim3A_244 = vector.broadcast %jit3A_243 : i32 to vector<128x1024xi32>
      %select_n3A_245 = arith.select %eq3A_242, %add3A_233, %broadcast_in_dim3A_244 : vector<128x1024xi1>, vector<128x1024xi32>
      %reduce_min3A_246 = arith.constant dense<2147483647> : vector<128xi32>
      %reduce_min3A_247 = vector.multi_reduction <minsi>, %select_n3A_245, %reduce_min3A_246 [1] : vector<128x1024xi32> to vector<128xi32>
      %broadcast_in_dim3A_248 = vector.shape_cast %reduce_min3A_247 : vector<128xi32> to vector<128x1xi32>
      %lt3A = arith.cmpf olt, %broadcast_in_dim3A_240, %scan3A_223 : vector<128x1xf32>
      %eq3A_249 = arith.cmpf oeq, %broadcast_in_dim3A_240, %scan3A_223 : vector<128x1xf32>
      %lt3A_250 = arith.cmpi slt, %broadcast_in_dim3A_248, %scan3A_224 : vector<128x1xi32>
      %and3A_251 = arith.andi %eq3A_249, %lt3A_250 : vector<128x1xi1>
      %or3A_252 = arith.ori %lt3A, %and3A_251 : vector<128x1xi1>
      %select_n3A_253 = arith.select %or3A_252, %broadcast_in_dim3A_240, %scan3A_223 : vector<128x1xi1>, vector<128x1xf32>
      %select_n3A_254 = arith.select %or3A_252, %broadcast_in_dim3A_248, %scan3A_224 : vector<128x1xi1>, vector<128x1xi32>
      scf.yield %select_n3A_253, %select_n3A_254 : vector<128x1xf32>, vector<128x1xi32>
    }
    %scan3A_36 = arith.constant 10 : i32
    %swap3A_37 = arith.constant 0 : index
    %swap3A_38 = arith.constant 1 : index
    %swap3A_39 = vector.load %arg3[%swap3A_37, %swap3A_38] : memref<128x16xi32, #tpu.memory_space<vmem>>, vector<128x1xi32>
    tpu.vector_store %arg3[%swap3A_37, %swap3A_38], %scan3A_35#1 {strides = array<i32>} : memref<128x16xi32, #tpu.memory_space<vmem>>, vector<128x1xi32>,
    %broadcast_in_dim3A_40 = arith.constant 0x7F800000 : f32
    %broadcast_in_dim3A_41 = vector.broadcast %broadcast_in_dim3A_40 : f32 to vector<128x1xf32>
    %broadcast_in_dim3A_42 = arith.constant 10240 : i32
    %broadcast_in_dim3A_43 = vector.broadcast %broadcast_in_dim3A_42 : i32 to vector<128x1xi32>
    %scan3A_44 = arith.constant 0 : i32
    %scan3A_45 = arith.constant 10 : i32
    %scan3A_46 = arith.addi %scan3A_44, %scan3A_45 : i32
    %scan3A_47 = arith.constant 1 : i32
    %scan3A_48:2 = scf.for %scan3A_222 = %scan3A_44 to %scan3A_46 step %scan3A_47 iter_args(%scan3A_223 = %broadcast_in_dim3A_41, %scan3A_224 = %broadcast_in_dim3A_43) -> (vector<128x1xf32>, vector<128x1xi32>)  : i32 {
      %get3A_225 = arith.index_cast %scan3A_222 : i32 to index
      %get3A_226 = arith.constant 0 : index
      %get3A_227 = arith.constant 0 : index
      %get3A_228 = vector.load %arg4[%get3A_225, %get3A_226, %get3A_227] : memref<10x128x1024xf32, #tpu.memory_space<vmem>>, vector<1x128x1024xf32>
      %get3A_229 = vector.shape_cast %get3A_228 : vector<1x128x1024xf32> to vector<128x1024xf32>
      %mul3A_230 = arith.constant 1024 : i32
      %mul3A_231 = arith.muli %scan3A_222, %mul3A_230 : i32
      %add3A_232 = vector.broadcast %mul3A_231 : i32 to vector<128x1024xi32>
      %add3A_233 = arith.addi %add3A_232, %iota3A_6 : vector<128x1024xi32>
      %gt3A = vector.broadcast %scan3A_35#0 : vector<128x1xf32> to vector<128x1024xf32>
      %gt3A_234 = arith.cmpf ogt, %get3A_229, %gt3A : vector<128x1024xf32>
      %eq3A = vector.broadcast %scan3A_35#0 : vector<128x1xf32> to vector<128x1024xf32>
      %eq3A_235 = arith.cmpf oeq, %get3A_229, %eq3A : vector<128x1024xf32>
      %gt3A_236 = vector.broadcast %scan3A_35#1 : vector<128x1xi32> to vector<128x1024xi32>
      %gt3A_237 = arith.cmpi sgt, %add3A_233, %gt3A_236 : vector<128x1024xi32>
      %and3A = arith.andi %eq3A_235, %gt3A_237 : vector<128x1024xi1>
      %or3A = arith.ori %gt3A_234, %and3A : vector<128x1024xi1>
      %jit3A = arith.constant 0x7F800000 : f32
      %broadcast_in_dim3A_238 = vector.broadcast %jit3A : f32 to vector<128x1024xf32>
      %select_n3A = arith.select %or3A, %get3A_229, %broadcast_in_dim3A_238 : vector<128x1024xi1>, vector<128x1024xf32>
      %reduce_min3A = arith.constant dense<0x7F800000> : vector<128xf32>
      %reduce_min3A_239 = vector.multi_reduction <minimumf>, %select_n3A, %reduce_min3A [1] : vector<128x1024xf32> to vector<128xf32>
      %broadcast_in_dim3A_240 = vector.shape_cast %reduce_min3A_239 : vector<128xf32> to vector<128x1xf32>
      %eq3A_241 = vector.broadcast %broadcast_in_dim3A_240 : vector<128x1xf32> to vector<128x1024xf32>
      %eq3A_242 = arith.cmpf oeq, %select_n3A, %eq3A_241 : vector<128x1024xf32>
      %jit3A_243 = arith.constant 10240 : i32
      %broadcast_in_dim3A_244 = vector.broadcast %jit3A_243 : i32 to vector<128x1024xi32>
      %select_n3A_245 = arith.select %eq3A_242, %add3A_233, %broadcast_in_dim3A_244 : vector<128x1024xi1>, vector<128x1024xi32>
      %reduce_min3A_246 = arith.constant dense<2147483647> : vector<128xi32>
      %reduce_min3A_247 = vector.multi_reduction <minsi>, %select_n3A_245, %reduce_min3A_246 [1] : vector<128x1024xi32> to vector<128xi32>
      %broadcast_in_dim3A_248 = vector.shape_cast %reduce_min3A_247 : vector<128xi32> to vector<128x1xi32>
      %lt3A = arith.cmpf olt, %broadcast_in_dim3A_240, %scan3A_223 : vector<128x1xf32>
      %eq3A_249 = arith.cmpf oeq, %broadcast_in_dim3A_240, %scan3A_223 : vector<128x1xf32>
      %lt3A_250 = arith.cmpi slt, %broadcast_in_dim3A_248, %scan3A_224 : vector<128x1xi32>
      %and3A_251 = arith.andi %eq3A_249, %lt3A_250 : vector<128x1xi1>
      %or3A_252 = arith.ori %lt3A, %and3A_251 : vector<128x1xi1>
      %select_n3A_253 = arith.select %or3A_252, %broadcast_in_dim3A_240, %scan3A_223 : vector<128x1xi1>, vector<128x1xf32>
      %select_n3A_254 = arith.select %or3A_252, %broadcast_in_dim3A_248, %scan3A_224 : vector<128x1xi1>, vector<128x1xi32>
      scf.yield %select_n3A_253, %select_n3A_254 : vector<128x1xf32>, vector<128x1xi32>
    }
    %scan3A_49 = arith.constant 10 : i32
    %swap3A_50 = arith.constant 0 : index
    %swap3A_51 = arith.constant 2 : index
    %swap3A_52 = vector.load %arg3[%swap3A_50, %swap3A_51] : memref<128x16xi32, #tpu.memory_space<vmem>>, vector<128x1xi32>
    tpu.vector_store %arg3[%swap3A_50, %swap3A_51], %scan3A_48#1 {strides = array<i32>} : memref<128x16xi32, #tpu.memory_space<vmem>>, vector<128x1xi32>,
    %broadcast_in_dim3A_53 = arith.constant 0x7F800000 : f32
    %broadcast_in_dim3A_54 = vector.broadcast %broadcast_in_dim3A_53 : f32 to vector<128x1xf32>
    %broadcast_in_dim3A_55 = arith.constant 10240 : i32
    %broadcast_in_dim3A_56 = vector.broadcast %broadcast_in_dim3A_55 : i32 to vector<128x1xi32>
    %scan3A_57 = arith.constant 0 : i32
    %scan3A_58 = arith.constant 10 : i32
    %scan3A_59 = arith.addi %scan3A_57, %scan3A_58 : i32
    %scan3A_60 = arith.constant 1 : i32
    %scan3A_61:2 = scf.for %scan3A_222 = %scan3A_57 to %scan3A_59 step %scan3A_60 iter_args(%scan3A_223 = %broadcast_in_dim3A_54, %scan3A_224 = %broadcast_in_dim3A_56) -> (vector<128x1xf32>, vector<128x1xi32>)  : i32 {
      %get3A_225 = arith.index_cast %scan3A_222 : i32 to index
      %get3A_226 = arith.constant 0 : index
      %get3A_227 = arith.constant 0 : index
      %get3A_228 = vector.load %arg4[%get3A_225, %get3A_226, %get3A_227] : memref<10x128x1024xf32, #tpu.memory_space<vmem>>, vector<1x128x1024xf32>
      %get3A_229 = vector.shape_cast %get3A_228 : vector<1x128x1024xf32> to vector<128x1024xf32>
      %mul3A_230 = arith.constant 1024 : i32
      %mul3A_231 = arith.muli %scan3A_222, %mul3A_230 : i32
      %add3A_232 = vector.broadcast %mul3A_231 : i32 to vector<128x1024xi32>
      %add3A_233 = arith.addi %add3A_232, %iota3A_6 : vector<128x1024xi32>
      %gt3A = vector.broadcast %scan3A_48#0 : vector<128x1xf32> to vector<128x1024xf32>
      %gt3A_234 = arith.cmpf ogt, %get3A_229, %gt3A : vector<128x1024xf32>
      %eq3A = vector.broadcast %scan3A_48#0 : vector<128x1xf32> to vector<128x1024xf32>
      %eq3A_235 = arith.cmpf oeq, %get3A_229, %eq3A : vector<128x1024xf32>
      %gt3A_236 = vector.broadcast %scan3A_48#1 : vector<128x1xi32> to vector<128x1024xi32>
      %gt3A_237 = arith.cmpi sgt, %add3A_233, %gt3A_236 : vector<128x1024xi32>
      %and3A = arith.andi %eq3A_235, %gt3A_237 : vector<128x1024xi1>
      %or3A = arith.ori %gt3A_234, %and3A : vector<128x1024xi1>
      %jit3A = arith.constant 0x7F800000 : f32
      %broadcast_in_dim3A_238 = vector.broadcast %jit3A : f32 to vector<128x1024xf32>
      %select_n3A = arith.select %or3A, %get3A_229, %broadcast_in_dim3A_238 : vector<128x1024xi1>, vector<128x1024xf32>
      %reduce_min3A = arith.constant dense<0x7F800000> : vector<128xf32>
      %reduce_min3A_239 = vector.multi_reduction <minimumf>, %select_n3A, %reduce_min3A [1] : vector<128x1024xf32> to vector<128xf32>
      %broadcast_in_dim3A_240 = vector.shape_cast %reduce_min3A_239 : vector<128xf32> to vector<128x1xf32>
      %eq3A_241 = vector.broadcast %broadcast_in_dim3A_240 : vector<128x1xf32> to vector<128x1024xf32>
      %eq3A_242 = arith.cmpf oeq, %select_n3A, %eq3A_241 : vector<128x1024xf32>
      %jit3A_243 = arith.constant 10240 : i32
      %broadcast_in_dim3A_244 = vector.broadcast %jit3A_243 : i32 to vector<128x1024xi32>
      %select_n3A_245 = arith.select %eq3A_242, %add3A_233, %broadcast_in_dim3A_244 : vector<128x1024xi1>, vector<128x1024xi32>
      %reduce_min3A_246 = arith.constant dense<2147483647> : vector<128xi32>
      %reduce_min3A_247 = vector.multi_reduction <minsi>, %select_n3A_245, %reduce_min3A_246 [1] : vector<128x1024xi32> to vector<128xi32>
      %broadcast_in_dim3A_248 = vector.shape_cast %reduce_min3A_247 : vector<128xi32> to vector<128x1xi32>
      %lt3A = arith.cmpf olt, %broadcast_in_dim3A_240, %scan3A_223 : vector<128x1xf32>
      %eq3A_249 = arith.cmpf oeq, %broadcast_in_dim3A_240, %scan3A_223 : vector<128x1xf32>
      %lt3A_250 = arith.cmpi slt, %broadcast_in_dim3A_248, %scan3A_224 : vector<128x1xi32>
      %and3A_251 = arith.andi %eq3A_249, %lt3A_250 : vector<128x1xi1>
      %or3A_252 = arith.ori %lt3A, %and3A_251 : vector<128x1xi1>
      %select_n3A_253 = arith.select %or3A_252, %broadcast_in_dim3A_240, %scan3A_223 : vector<128x1xi1>, vector<128x1xf32>
      %select_n3A_254 = arith.select %or3A_252, %broadcast_in_dim3A_248, %scan3A_224 : vector<128x1xi1>, vector<128x1xi32>
      scf.yield %select_n3A_253, %select_n3A_254 : vector<128x1xf32>, vector<128x1xi32>
    }
    %scan3A_62 = arith.constant 10 : i32
    %swap3A_63 = arith.constant 0 : index
    %swap3A_64 = arith.constant 3 : index
    %swap3A_65 = vector.load %arg3[%swap3A_63, %swap3A_64] : memref<128x16xi32, #tpu.memory_space<vmem>>, vector<128x1xi32>
    tpu.vector_store %arg3[%swap3A_63, %swap3A_64], %scan3A_61#1 {strides = array<i32>} : memref<128x16xi32, #tpu.memory_space<vmem>>, vector<128x1xi32>,
    %broadcast_in_dim3A_66 = arith.constant 0x7F800000 : f32
    %broadcast_in_dim3A_67 = vector.broadcast %broadcast_in_dim3A_66 : f32 to vector<128x1xf32>
    %broadcast_in_dim3A_68 = arith.constant 10240 : i32
    %broadcast_in_dim3A_69 = vector.broadcast %broadcast_in_dim3A_68 : i32 to vector<128x1xi32>
    %scan3A_70 = arith.constant 0 : i32
    %scan3A_71 = arith.constant 10 : i32
    %scan3A_72 = arith.addi %scan3A_70, %scan3A_71 : i32
    %scan3A_73 = arith.constant 1 : i32
    %scan3A_74:2 = scf.for %scan3A_222 = %scan3A_70 to %scan3A_72 step %scan3A_73 iter_args(%scan3A_223 = %broadcast_in_dim3A_67, %scan3A_224 = %broadcast_in_dim3A_69) -> (vector<128x1xf32>, vector<128x1xi32>)  : i32 {
      %get3A_225 = arith.index_cast %scan3A_222 : i32 to index
      %get3A_226 = arith.constant 0 : index
      %get3A_227 = arith.constant 0 : index
      %get3A_228 = vector.load %arg4[%get3A_225, %get3A_226, %get3A_227] : memref<10x128x1024xf32, #tpu.memory_space<vmem>>, vector<1x128x1024xf32>
      %get3A_229 = vector.shape_cast %get3A_228 : vector<1x128x1024xf32> to vector<128x1024xf32>
      %mul3A_230 = arith.constant 1024 : i32
      %mul3A_231 = arith.muli %scan3A_222, %mul3A_230 : i32
      %add3A_232 = vector.broadcast %mul3A_231 : i32 to vector<128x1024xi32>
      %add3A_233 = arith.addi %add3A_232, %iota3A_6 : vector<128x1024xi32>
      %gt3A = vector.broadcast %scan3A_61#0 : vector<128x1xf32> to vector<128x1024xf32>
      %gt3A_234 = arith.cmpf ogt, %get3A_229, %gt3A : vector<128x1024xf32>
      %eq3A = vector.broadcast %scan3A_61#0 : vector<128x1xf32> to vector<128x1024xf32>
      %eq3A_235 = arith.cmpf oeq, %get3A_229, %eq3A : vector<128x1024xf32>
      %gt3A_236 = vector.broadcast %scan3A_61#1 : vector<128x1xi32> to vector<128x1024xi32>
      %gt3A_237 = arith.cmpi sgt, %add3A_233, %gt3A_236 : vector<128x1024xi32>
      %and3A = arith.andi %eq3A_235, %gt3A_237 : vector<128x1024xi1>
      %or3A = arith.ori %gt3A_234, %and3A : vector<128x1024xi1>
      %jit3A = arith.constant 0x7F800000 : f32
      %broadcast_in_dim3A_238 = vector.broadcast %jit3A : f32 to vector<128x1024xf32>
      %select_n3A = arith.select %or3A, %get3A_229, %broadcast_in_dim3A_238 : vector<128x1024xi1>, vector<128x1024xf32>
      %reduce_min3A = arith.constant dense<0x7F800000> : vector<128xf32>
      %reduce_min3A_239 = vector.multi_reduction <minimumf>, %select_n3A, %reduce_min3A [1] : vector<128x1024xf32> to vector<128xf32>
      %broadcast_in_dim3A_240 = vector.shape_cast %reduce_min3A_239 : vector<128xf32> to vector<128x1xf32>
      %eq3A_241 = vector.broadcast %broadcast_in_dim3A_240 : vector<128x1xf32> to vector<128x1024xf32>
      %eq3A_242 = arith.cmpf oeq, %select_n3A, %eq3A_241 : vector<128x1024xf32>
      %jit3A_243 = arith.constant 10240 : i32
      %broadcast_in_dim3A_244 = vector.broadcast %jit3A_243 : i32 to vector<128x1024xi32>
      %select_n3A_245 = arith.select %eq3A_242, %add3A_233, %broadcast_in_dim3A_244 : vector<128x1024xi1>, vector<128x1024xi32>
      %reduce_min3A_246 = arith.constant dense<2147483647> : vector<128xi32>
      %reduce_min3A_247 = vector.multi_reduction <minsi>, %select_n3A_245, %reduce_min3A_246 [1] : vector<128x1024xi32> to vector<128xi32>
      %broadcast_in_dim3A_248 = vector.shape_cast %reduce_min3A_247 : vector<128xi32> to vector<128x1xi32>
      %lt3A = arith.cmpf olt, %broadcast_in_dim3A_240, %scan3A_223 : vector<128x1xf32>
      %eq3A_249 = arith.cmpf oeq, %broadcast_in_dim3A_240, %scan3A_223 : vector<128x1xf32>
      %lt3A_250 = arith.cmpi slt, %broadcast_in_dim3A_248, %scan3A_224 : vector<128x1xi32>
      %and3A_251 = arith.andi %eq3A_249, %lt3A_250 : vector<128x1xi1>
      %or3A_252 = arith.ori %lt3A, %and3A_251 : vector<128x1xi1>
      %select_n3A_253 = arith.select %or3A_252, %broadcast_in_dim3A_240, %scan3A_223 : vector<128x1xi1>, vector<128x1xf32>
      %select_n3A_254 = arith.select %or3A_252, %broadcast_in_dim3A_248, %scan3A_224 : vector<128x1xi1>, vector<128x1xi32>
      scf.yield %select_n3A_253, %select_n3A_254 : vector<128x1xf32>, vector<128x1xi32>
    }
    %scan3A_75 = arith.constant 10 : i32
    %swap3A_76 = arith.constant 0 : index
    %swap3A_77 = arith.constant 4 : index
    %swap3A_78 = vector.load %arg3[%swap3A_76, %swap3A_77] : memref<128x16xi32, #tpu.memory_space<vmem>>, vector<128x1xi32>
    tpu.vector_store %arg3[%swap3A_76, %swap3A_77], %scan3A_74#1 {strides = array<i32>} : memref<128x16xi32, #tpu.memory_space<vmem>>, vector<128x1xi32>,
    %broadcast_in_dim3A_79 = arith.constant 0x7F800000 : f32
    %broadcast_in_dim3A_80 = vector.broadcast %broadcast_in_dim3A_79 : f32 to vector<128x1xf32>
    %broadcast_in_dim3A_81 = arith.constant 10240 : i32
    %broadcast_in_dim3A_82 = vector.broadcast %broadcast_in_dim3A_81 : i32 to vector<128x1xi32>
    %scan3A_83 = arith.constant 0 : i32
    %scan3A_84 = arith.constant 10 : i32
    %scan3A_85 = arith.addi %scan3A_83, %scan3A_84 : i32
    %scan3A_86 = arith.constant 1 : i32
    %scan3A_87:2 = scf.for %scan3A_222 = %scan3A_83 to %scan3A_85 step %scan3A_86 iter_args(%scan3A_223 = %broadcast_in_dim3A_80, %scan3A_224 = %broadcast_in_dim3A_82) -> (vector<128x1xf32>, vector<128x1xi32>)  : i32 {
      %get3A_225 = arith.index_cast %scan3A_222 : i32 to index
      %get3A_226 = arith.constant 0 : index
      %get3A_227 = arith.constant 0 : index
      %get3A_228 = vector.load %arg4[%get3A_225, %get3A_226, %get3A_227] : memref<10x128x1024xf32, #tpu.memory_space<vmem>>, vector<1x128x1024xf32>
      %get3A_229 = vector.shape_cast %get3A_228 : vector<1x128x1024xf32> to vector<128x1024xf32>
      %mul3A_230 = arith.constant 1024 : i32
      %mul3A_231 = arith.muli %scan3A_222, %mul3A_230 : i32
      %add3A_232 = vector.broadcast %mul3A_231 : i32 to vector<128x1024xi32>
      %add3A_233 = arith.addi %add3A_232, %iota3A_6 : vector<128x1024xi32>
      %gt3A = vector.broadcast %scan3A_74#0 : vector<128x1xf32> to vector<128x1024xf32>
      %gt3A_234 = arith.cmpf ogt, %get3A_229, %gt3A : vector<128x1024xf32>
      %eq3A = vector.broadcast %scan3A_74#0 : vector<128x1xf32> to vector<128x1024xf32>
      %eq3A_235 = arith.cmpf oeq, %get3A_229, %eq3A : vector<128x1024xf32>
      %gt3A_236 = vector.broadcast %scan3A_74#1 : vector<128x1xi32> to vector<128x1024xi32>
      %gt3A_237 = arith.cmpi sgt, %add3A_233, %gt3A_236 : vector<128x1024xi32>
      %and3A = arith.andi %eq3A_235, %gt3A_237 : vector<128x1024xi1>
      %or3A = arith.ori %gt3A_234, %and3A : vector<128x1024xi1>
      %jit3A = arith.constant 0x7F800000 : f32
      %broadcast_in_dim3A_238 = vector.broadcast %jit3A : f32 to vector<128x1024xf32>
      %select_n3A = arith.select %or3A, %get3A_229, %broadcast_in_dim3A_238 : vector<128x1024xi1>, vector<128x1024xf32>
      %reduce_min3A = arith.constant dense<0x7F800000> : vector<128xf32>
      %reduce_min3A_239 = vector.multi_reduction <minimumf>, %select_n3A, %reduce_min3A [1] : vector<128x1024xf32> to vector<128xf32>
      %broadcast_in_dim3A_240 = vector.shape_cast %reduce_min3A_239 : vector<128xf32> to vector<128x1xf32>
      %eq3A_241 = vector.broadcast %broadcast_in_dim3A_240 : vector<128x1xf32> to vector<128x1024xf32>
      %eq3A_242 = arith.cmpf oeq, %select_n3A, %eq3A_241 : vector<128x1024xf32>
      %jit3A_243 = arith.constant 10240 : i32
      %broadcast_in_dim3A_244 = vector.broadcast %jit3A_243 : i32 to vector<128x1024xi32>
      %select_n3A_245 = arith.select %eq3A_242, %add3A_233, %broadcast_in_dim3A_244 : vector<128x1024xi1>, vector<128x1024xi32>
      %reduce_min3A_246 = arith.constant dense<2147483647> : vector<128xi32>
      %reduce_min3A_247 = vector.multi_reduction <minsi>, %select_n3A_245, %reduce_min3A_246 [1] : vector<128x1024xi32> to vector<128xi32>
      %broadcast_in_dim3A_248 = vector.shape_cast %reduce_min3A_247 : vector<128xi32> to vector<128x1xi32>
      %lt3A = arith.cmpf olt, %broadcast_in_dim3A_240, %scan3A_223 : vector<128x1xf32>
      %eq3A_249 = arith.cmpf oeq, %broadcast_in_dim3A_240, %scan3A_223 : vector<128x1xf32>
      %lt3A_250 = arith.cmpi slt, %broadcast_in_dim3A_248, %scan3A_224 : vector<128x1xi32>
      %and3A_251 = arith.andi %eq3A_249, %lt3A_250 : vector<128x1xi1>
      %or3A_252 = arith.ori %lt3A, %and3A_251 : vector<128x1xi1>
      %select_n3A_253 = arith.select %or3A_252, %broadcast_in_dim3A_240, %scan3A_223 : vector<128x1xi1>, vector<128x1xf32>
      %select_n3A_254 = arith.select %or3A_252, %broadcast_in_dim3A_248, %scan3A_224 : vector<128x1xi1>, vector<128x1xi32>
      scf.yield %select_n3A_253, %select_n3A_254 : vector<128x1xf32>, vector<128x1xi32>
    }
    %scan3A_88 = arith.constant 10 : i32
    %swap3A_89 = arith.constant 0 : index
    %swap3A_90 = arith.constant 5 : index
    %swap3A_91 = vector.load %arg3[%swap3A_89, %swap3A_90] : memref<128x16xi32, #tpu.memory_space<vmem>>, vector<128x1xi32>
    tpu.vector_store %arg3[%swap3A_89, %swap3A_90], %scan3A_87#1 {strides = array<i32>} : memref<128x16xi32, #tpu.memory_space<vmem>>, vector<128x1xi32>,
    %broadcast_in_dim3A_92 = arith.constant 0x7F800000 : f32
    %broadcast_in_dim3A_93 = vector.broadcast %broadcast_in_dim3A_92 : f32 to vector<128x1xf32>
    %broadcast_in_dim3A_94 = arith.constant 10240 : i32
    %broadcast_in_dim3A_95 = vector.broadcast %broadcast_in_dim3A_94 : i32 to vector<128x1xi32>
    %scan3A_96 = arith.constant 0 : i32
    %scan3A_97 = arith.constant 10 : i32
    %scan3A_98 = arith.addi %scan3A_96, %scan3A_97 : i32
    %scan3A_99 = arith.constant 1 : i32
    %scan3A_100:2 = scf.for %scan3A_222 = %scan3A_96 to %scan3A_98 step %scan3A_99 iter_args(%scan3A_223 = %broadcast_in_dim3A_93, %scan3A_224 = %broadcast_in_dim3A_95) -> (vector<128x1xf32>, vector<128x1xi32>)  : i32 {
      %get3A_225 = arith.index_cast %scan3A_222 : i32 to index
      %get3A_226 = arith.constant 0 : index
      %get3A_227 = arith.constant 0 : index
      %get3A_228 = vector.load %arg4[%get3A_225, %get3A_226, %get3A_227] : memref<10x128x1024xf32, #tpu.memory_space<vmem>>, vector<1x128x1024xf32>
      %get3A_229 = vector.shape_cast %get3A_228 : vector<1x128x1024xf32> to vector<128x1024xf32>
      %mul3A_230 = arith.constant 1024 : i32
      %mul3A_231 = arith.muli %scan3A_222, %mul3A_230 : i32
      %add3A_232 = vector.broadcast %mul3A_231 : i32 to vector<128x1024xi32>
      %add3A_233 = arith.addi %add3A_232, %iota3A_6 : vector<128x1024xi32>
      %gt3A = vector.broadcast %scan3A_87#0 : vector<128x1xf32> to vector<128x1024xf32>
      %gt3A_234 = arith.cmpf ogt, %get3A_229, %gt3A : vector<128x1024xf32>
      %eq3A = vector.broadcast %scan3A_87#0 : vector<128x1xf32> to vector<128x1024xf32>
      %eq3A_235 = arith.cmpf oeq, %get3A_229, %eq3A : vector<128x1024xf32>
      %gt3A_236 = vector.broadcast %scan3A_87#1 : vector<128x1xi32> to vector<128x1024xi32>
      %gt3A_237 = arith.cmpi sgt, %add3A_233, %gt3A_236 : vector<128x1024xi32>
      %and3A = arith.andi %eq3A_235, %gt3A_237 : vector<128x1024xi1>
      %or3A = arith.ori %gt3A_234, %and3A : vector<128x1024xi1>
      %jit3A = arith.constant 0x7F800000 : f32
      %broadcast_in_dim3A_238 = vector.broadcast %jit3A : f32 to vector<128x1024xf32>
      %select_n3A = arith.select %or3A, %get3A_229, %broadcast_in_dim3A_238 : vector<128x1024xi1>, vector<128x1024xf32>
      %reduce_min3A = arith.constant dense<0x7F800000> : vector<128xf32>
      %reduce_min3A_239 = vector.multi_reduction <minimumf>, %select_n3A, %reduce_min3A [1] : vector<128x1024xf32> to vector<128xf32>
      %broadcast_in_dim3A_240 = vector.shape_cast %reduce_min3A_239 : vector<128xf32> to vector<128x1xf32>
      %eq3A_241 = vector.broadcast %broadcast_in_dim3A_240 : vector<128x1xf32> to vector<128x1024xf32>
      %eq3A_242 = arith.cmpf oeq, %select_n3A, %eq3A_241 : vector<128x1024xf32>
      %jit3A_243 = arith.constant 10240 : i32
      %broadcast_in_dim3A_244 = vector.broadcast %jit3A_243 : i32 to vector<128x1024xi32>
      %select_n3A_245 = arith.select %eq3A_242, %add3A_233, %broadcast_in_dim3A_244 : vector<128x1024xi1>, vector<128x1024xi32>
      %reduce_min3A_246 = arith.constant dense<2147483647> : vector<128xi32>
      %reduce_min3A_247 = vector.multi_reduction <minsi>, %select_n3A_245, %reduce_min3A_246 [1] : vector<128x1024xi32> to vector<128xi32>
      %broadcast_in_dim3A_248 = vector.shape_cast %reduce_min3A_247 : vector<128xi32> to vector<128x1xi32>
      %lt3A = arith.cmpf olt, %broadcast_in_dim3A_240, %scan3A_223 : vector<128x1xf32>
      %eq3A_249 = arith.cmpf oeq, %broadcast_in_dim3A_240, %scan3A_223 : vector<128x1xf32>
      %lt3A_250 = arith.cmpi slt, %broadcast_in_dim3A_248, %scan3A_224 : vector<128x1xi32>
      %and3A_251 = arith.andi %eq3A_249, %lt3A_250 : vector<128x1xi1>
      %or3A_252 = arith.ori %lt3A, %and3A_251 : vector<128x1xi1>
      %select_n3A_253 = arith.select %or3A_252, %broadcast_in_dim3A_240, %scan3A_223 : vector<128x1xi1>, vector<128x1xf32>
      %select_n3A_254 = arith.select %or3A_252, %broadcast_in_dim3A_248, %scan3A_224 : vector<128x1xi1>, vector<128x1xi32>
      scf.yield %select_n3A_253, %select_n3A_254 : vector<128x1xf32>, vector<128x1xi32>
    }
    %scan3A_101 = arith.constant 10 : i32
    %swap3A_102 = arith.constant 0 : index
    %swap3A_103 = arith.constant 6 : index
    %swap3A_104 = vector.load %arg3[%swap3A_102, %swap3A_103] : memref<128x16xi32, #tpu.memory_space<vmem>>, vector<128x1xi32>
    tpu.vector_store %arg3[%swap3A_102, %swap3A_103], %scan3A_100#1 {strides = array<i32>} : memref<128x16xi32, #tpu.memory_space<vmem>>, vector<128x1xi32>,
    %broadcast_in_dim3A_105 = arith.constant 0x7F800000 : f32
    %broadcast_in_dim3A_106 = vector.broadcast %broadcast_in_dim3A_105 : f32 to vector<128x1xf32>
    %broadcast_in_dim3A_107 = arith.constant 10240 : i32
    %broadcast_in_dim3A_108 = vector.broadcast %broadcast_in_dim3A_107 : i32 to vector<128x1xi32>
    %scan3A_109 = arith.constant 0 : i32
    %scan3A_110 = arith.constant 10 : i32
    %scan3A_111 = arith.addi %scan3A_109, %scan3A_110 : i32
    %scan3A_112 = arith.constant 1 : i32
    %scan3A_113:2 = scf.for %scan3A_222 = %scan3A_109 to %scan3A_111 step %scan3A_112 iter_args(%scan3A_223 = %broadcast_in_dim3A_106, %scan3A_224 = %broadcast_in_dim3A_108) -> (vector<128x1xf32>, vector<128x1xi32>)  : i32 {
      %get3A_225 = arith.index_cast %scan3A_222 : i32 to index
      %get3A_226 = arith.constant 0 : index
      %get3A_227 = arith.constant 0 : index
      %get3A_228 = vector.load %arg4[%get3A_225, %get3A_226, %get3A_227] : memref<10x128x1024xf32, #tpu.memory_space<vmem>>, vector<1x128x1024xf32>
      %get3A_229 = vector.shape_cast %get3A_228 : vector<1x128x1024xf32> to vector<128x1024xf32>
      %mul3A_230 = arith.constant 1024 : i32
      %mul3A_231 = arith.muli %scan3A_222, %mul3A_230 : i32
      %add3A_232 = vector.broadcast %mul3A_231 : i32 to vector<128x1024xi32>
      %add3A_233 = arith.addi %add3A_232, %iota3A_6 : vector<128x1024xi32>
      %gt3A = vector.broadcast %scan3A_100#0 : vector<128x1xf32> to vector<128x1024xf32>
      %gt3A_234 = arith.cmpf ogt, %get3A_229, %gt3A : vector<128x1024xf32>
      %eq3A = vector.broadcast %scan3A_100#0 : vector<128x1xf32> to vector<128x1024xf32>
      %eq3A_235 = arith.cmpf oeq, %get3A_229, %eq3A : vector<128x1024xf32>
      %gt3A_236 = vector.broadcast %scan3A_100#1 : vector<128x1xi32> to vector<128x1024xi32>
      %gt3A_237 = arith.cmpi sgt, %add3A_233, %gt3A_236 : vector<128x1024xi32>
      %and3A = arith.andi %eq3A_235, %gt3A_237 : vector<128x1024xi1>
      %or3A = arith.ori %gt3A_234, %and3A : vector<128x1024xi1>
      %jit3A = arith.constant 0x7F800000 : f32
      %broadcast_in_dim3A_238 = vector.broadcast %jit3A : f32 to vector<128x1024xf32>
      %select_n3A = arith.select %or3A, %get3A_229, %broadcast_in_dim3A_238 : vector<128x1024xi1>, vector<128x1024xf32>
      %reduce_min3A = arith.constant dense<0x7F800000> : vector<128xf32>
      %reduce_min3A_239 = vector.multi_reduction <minimumf>, %select_n3A, %reduce_min3A [1] : vector<128x1024xf32> to vector<128xf32>
      %broadcast_in_dim3A_240 = vector.shape_cast %reduce_min3A_239 : vector<128xf32> to vector<128x1xf32>
      %eq3A_241 = vector.broadcast %broadcast_in_dim3A_240 : vector<128x1xf32> to vector<128x1024xf32>
      %eq3A_242 = arith.cmpf oeq, %select_n3A, %eq3A_241 : vector<128x1024xf32>
      %jit3A_243 = arith.constant 10240 : i32
      %broadcast_in_dim3A_244 = vector.broadcast %jit3A_243 : i32 to vector<128x1024xi32>
      %select_n3A_245 = arith.select %eq3A_242, %add3A_233, %broadcast_in_dim3A_244 : vector<128x1024xi1>, vector<128x1024xi32>
      %reduce_min3A_246 = arith.constant dense<2147483647> : vector<128xi32>
      %reduce_min3A_247 = vector.multi_reduction <minsi>, %select_n3A_245, %reduce_min3A_246 [1] : vector<128x1024xi32> to vector<128xi32>
      %broadcast_in_dim3A_248 = vector.shape_cast %reduce_min3A_247 : vector<128xi32> to vector<128x1xi32>
      %lt3A = arith.cmpf olt, %broadcast_in_dim3A_240, %scan3A_223 : vector<128x1xf32>
      %eq3A_249 = arith.cmpf oeq, %broadcast_in_dim3A_240, %scan3A_223 : vector<128x1xf32>
      %lt3A_250 = arith.cmpi slt, %broadcast_in_dim3A_248, %scan3A_224 : vector<128x1xi32>
      %and3A_251 = arith.andi %eq3A_249, %lt3A_250 : vector<128x1xi1>
      %or3A_252 = arith.ori %lt3A, %and3A_251 : vector<128x1xi1>
      %select_n3A_253 = arith.select %or3A_252, %broadcast_in_dim3A_240, %scan3A_223 : vector<128x1xi1>, vector<128x1xf32>
      %select_n3A_254 = arith.select %or3A_252, %broadcast_in_dim3A_248, %scan3A_224 : vector<128x1xi1>, vector<128x1xi32>
      scf.yield %select_n3A_253, %select_n3A_254 : vector<128x1xf32>, vector<128x1xi32>
    }
    %scan3A_114 = arith.constant 10 : i32
    %swap3A_115 = arith.constant 0 : index
    %swap3A_116 = arith.constant 7 : index
    %swap3A_117 = vector.load %arg3[%swap3A_115, %swap3A_116] : memref<128x16xi32, #tpu.memory_space<vmem>>, vector<128x1xi32>
    tpu.vector_store %arg3[%swap3A_115, %swap3A_116], %scan3A_113#1 {strides = array<i32>} : memref<128x16xi32, #tpu.memory_space<vmem>>, vector<128x1xi32>,
    %broadcast_in_dim3A_118 = arith.constant 0x7F800000 : f32
    %broadcast_in_dim3A_119 = vector.broadcast %broadcast_in_dim3A_118 : f32 to vector<128x1xf32>
    %broadcast_in_dim3A_120 = arith.constant 10240 : i32
    %broadcast_in_dim3A_121 = vector.broadcast %broadcast_in_dim3A_120 : i32 to vector<128x1xi32>
    %scan3A_122 = arith.constant 0 : i32
    %scan3A_123 = arith.constant 10 : i32
    %scan3A_124 = arith.addi %scan3A_122, %scan3A_123 : i32
    %scan3A_125 = arith.constant 1 : i32
    %scan3A_126:2 = scf.for %scan3A_222 = %scan3A_122 to %scan3A_124 step %scan3A_125 iter_args(%scan3A_223 = %broadcast_in_dim3A_119, %scan3A_224 = %broadcast_in_dim3A_121) -> (vector<128x1xf32>, vector<128x1xi32>)  : i32 {
      %get3A_225 = arith.index_cast %scan3A_222 : i32 to index
      %get3A_226 = arith.constant 0 : index
      %get3A_227 = arith.constant 0 : index
      %get3A_228 = vector.load %arg4[%get3A_225, %get3A_226, %get3A_227] : memref<10x128x1024xf32, #tpu.memory_space<vmem>>, vector<1x128x1024xf32>
      %get3A_229 = vector.shape_cast %get3A_228 : vector<1x128x1024xf32> to vector<128x1024xf32>
      %mul3A_230 = arith.constant 1024 : i32
      %mul3A_231 = arith.muli %scan3A_222, %mul3A_230 : i32
      %add3A_232 = vector.broadcast %mul3A_231 : i32 to vector<128x1024xi32>
      %add3A_233 = arith.addi %add3A_232, %iota3A_6 : vector<128x1024xi32>
      %gt3A = vector.broadcast %scan3A_113#0 : vector<128x1xf32> to vector<128x1024xf32>
      %gt3A_234 = arith.cmpf ogt, %get3A_229, %gt3A : vector<128x1024xf32>
      %eq3A = vector.broadcast %scan3A_113#0 : vector<128x1xf32> to vector<128x1024xf32>
      %eq3A_235 = arith.cmpf oeq, %get3A_229, %eq3A : vector<128x1024xf32>
      %gt3A_236 = vector.broadcast %scan3A_113#1 : vector<128x1xi32> to vector<128x1024xi32>
      %gt3A_237 = arith.cmpi sgt, %add3A_233, %gt3A_236 : vector<128x1024xi32>
      %and3A = arith.andi %eq3A_235, %gt3A_237 : vector<128x1024xi1>
      %or3A = arith.ori %gt3A_234, %and3A : vector<128x1024xi1>
      %jit3A = arith.constant 0x7F800000 : f32
      %broadcast_in_dim3A_238 = vector.broadcast %jit3A : f32 to vector<128x1024xf32>
      %select_n3A = arith.select %or3A, %get3A_229, %broadcast_in_dim3A_238 : vector<128x1024xi1>, vector<128x1024xf32>
      %reduce_min3A = arith.constant dense<0x7F800000> : vector<128xf32>
      %reduce_min3A_239 = vector.multi_reduction <minimumf>, %select_n3A, %reduce_min3A [1] : vector<128x1024xf32> to vector<128xf32>
      %broadcast_in_dim3A_240 = vector.shape_cast %reduce_min3A_239 : vector<128xf32> to vector<128x1xf32>
      %eq3A_241 = vector.broadcast %broadcast_in_dim3A_240 : vector<128x1xf32> to vector<128x1024xf32>
      %eq3A_242 = arith.cmpf oeq, %select_n3A, %eq3A_241 : vector<128x1024xf32>
      %jit3A_243 = arith.constant 10240 : i32
      %broadcast_in_dim3A_244 = vector.broadcast %jit3A_243 : i32 to vector<128x1024xi32>
      %select_n3A_245 = arith.select %eq3A_242, %add3A_233, %broadcast_in_dim3A_244 : vector<128x1024xi1>, vector<128x1024xi32>
      %reduce_min3A_246 = arith.constant dense<2147483647> : vector<128xi32>
      %reduce_min3A_247 = vector.multi_reduction <minsi>, %select_n3A_245, %reduce_min3A_246 [1] : vector<128x1024xi32> to vector<128xi32>
      %broadcast_in_dim3A_248 = vector.shape_cast %reduce_min3A_247 : vector<128xi32> to vector<128x1xi32>
      %lt3A = arith.cmpf olt, %broadcast_in_dim3A_240, %scan3A_223 : vector<128x1xf32>
      %eq3A_249 = arith.cmpf oeq, %broadcast_in_dim3A_240, %scan3A_223 : vector<128x1xf32>
      %lt3A_250 = arith.cmpi slt, %broadcast_in_dim3A_248, %scan3A_224 : vector<128x1xi32>
      %and3A_251 = arith.andi %eq3A_249, %lt3A_250 : vector<128x1xi1>
      %or3A_252 = arith.ori %lt3A, %and3A_251 : vector<128x1xi1>
      %select_n3A_253 = arith.select %or3A_252, %broadcast_in_dim3A_240, %scan3A_223 : vector<128x1xi1>, vector<128x1xf32>
      %select_n3A_254 = arith.select %or3A_252, %broadcast_in_dim3A_248, %scan3A_224 : vector<128x1xi1>, vector<128x1xi32>
      scf.yield %select_n3A_253, %select_n3A_254 : vector<128x1xf32>, vector<128x1xi32>
    }
    %scan3A_127 = arith.constant 10 : i32
    %swap3A_128 = arith.constant 0 : index
    %swap3A_129 = arith.constant 8 : index
    %swap3A_130 = vector.load %arg3[%swap3A_128, %swap3A_129] : memref<128x16xi32, #tpu.memory_space<vmem>>, vector<128x1xi32>
    tpu.vector_store %arg3[%swap3A_128, %swap3A_129], %scan3A_126#1 {strides = array<i32>} : memref<128x16xi32, #tpu.memory_space<vmem>>, vector<128x1xi32>,
    %broadcast_in_dim3A_131 = arith.constant 0x7F800000 : f32
    %broadcast_in_dim3A_132 = vector.broadcast %broadcast_in_dim3A_131 : f32 to vector<128x1xf32>
    %broadcast_in_dim3A_133 = arith.constant 10240 : i32
    %broadcast_in_dim3A_134 = vector.broadcast %broadcast_in_dim3A_133 : i32 to vector<128x1xi32>
    %scan3A_135 = arith.constant 0 : i32
    %scan3A_136 = arith.constant 10 : i32
    %scan3A_137 = arith.addi %scan3A_135, %scan3A_136 : i32
    %scan3A_138 = arith.constant 1 : i32
    %scan3A_139:2 = scf.for %scan3A_222 = %scan3A_135 to %scan3A_137 step %scan3A_138 iter_args(%scan3A_223 = %broadcast_in_dim3A_132, %scan3A_224 = %broadcast_in_dim3A_134) -> (vector<128x1xf32>, vector<128x1xi32>)  : i32 {
      %get3A_225 = arith.index_cast %scan3A_222 : i32 to index
      %get3A_226 = arith.constant 0 : index
      %get3A_227 = arith.constant 0 : index
      %get3A_228 = vector.load %arg4[%get3A_225, %get3A_226, %get3A_227] : memref<10x128x1024xf32, #tpu.memory_space<vmem>>, vector<1x128x1024xf32>
      %get3A_229 = vector.shape_cast %get3A_228 : vector<1x128x1024xf32> to vector<128x1024xf32>
      %mul3A_230 = arith.constant 1024 : i32
      %mul3A_231 = arith.muli %scan3A_222, %mul3A_230 : i32
      %add3A_232 = vector.broadcast %mul3A_231 : i32 to vector<128x1024xi32>
      %add3A_233 = arith.addi %add3A_232, %iota3A_6 : vector<128x1024xi32>
      %gt3A = vector.broadcast %scan3A_126#0 : vector<128x1xf32> to vector<128x1024xf32>
      %gt3A_234 = arith.cmpf ogt, %get3A_229, %gt3A : vector<128x1024xf32>
      %eq3A = vector.broadcast %scan3A_126#0 : vector<128x1xf32> to vector<128x1024xf32>
      %eq3A_235 = arith.cmpf oeq, %get3A_229, %eq3A : vector<128x1024xf32>
      %gt3A_236 = vector.broadcast %scan3A_126#1 : vector<128x1xi32> to vector<128x1024xi32>
      %gt3A_237 = arith.cmpi sgt, %add3A_233, %gt3A_236 : vector<128x1024xi32>
      %and3A = arith.andi %eq3A_235, %gt3A_237 : vector<128x1024xi1>
      %or3A = arith.ori %gt3A_234, %and3A : vector<128x1024xi1>
      %jit3A = arith.constant 0x7F800000 : f32
      %broadcast_in_dim3A_238 = vector.broadcast %jit3A : f32 to vector<128x1024xf32>
      %select_n3A = arith.select %or3A, %get3A_229, %broadcast_in_dim3A_238 : vector<128x1024xi1>, vector<128x1024xf32>
      %reduce_min3A = arith.constant dense<0x7F800000> : vector<128xf32>
      %reduce_min3A_239 = vector.multi_reduction <minimumf>, %select_n3A, %reduce_min3A [1] : vector<128x1024xf32> to vector<128xf32>
      %broadcast_in_dim3A_240 = vector.shape_cast %reduce_min3A_239 : vector<128xf32> to vector<128x1xf32>
      %eq3A_241 = vector.broadcast %broadcast_in_dim3A_240 : vector<128x1xf32> to vector<128x1024xf32>
      %eq3A_242 = arith.cmpf oeq, %select_n3A, %eq3A_241 : vector<128x1024xf32>
      %jit3A_243 = arith.constant 10240 : i32
      %broadcast_in_dim3A_244 = vector.broadcast %jit3A_243 : i32 to vector<128x1024xi32>
      %select_n3A_245 = arith.select %eq3A_242, %add3A_233, %broadcast_in_dim3A_244 : vector<128x1024xi1>, vector<128x1024xi32>
      %reduce_min3A_246 = arith.constant dense<2147483647> : vector<128xi32>
      %reduce_min3A_247 = vector.multi_reduction <minsi>, %select_n3A_245, %reduce_min3A_246 [1] : vector<128x1024xi32> to vector<128xi32>
      %broadcast_in_dim3A_248 = vector.shape_cast %reduce_min3A_247 : vector<128xi32> to vector<128x1xi32>
      %lt3A = arith.cmpf olt, %broadcast_in_dim3A_240, %scan3A_223 : vector<128x1xf32>
      %eq3A_249 = arith.cmpf oeq, %broadcast_in_dim3A_240, %scan3A_223 : vector<128x1xf32>
      %lt3A_250 = arith.cmpi slt, %broadcast_in_dim3A_248, %scan3A_224 : vector<128x1xi32>
      %and3A_251 = arith.andi %eq3A_249, %lt3A_250 : vector<128x1xi1>
      %or3A_252 = arith.ori %lt3A, %and3A_251 : vector<128x1xi1>
      %select_n3A_253 = arith.select %or3A_252, %broadcast_in_dim3A_240, %scan3A_223 : vector<128x1xi1>, vector<128x1xf32>
      %select_n3A_254 = arith.select %or3A_252, %broadcast_in_dim3A_248, %scan3A_224 : vector<128x1xi1>, vector<128x1xi32>
      scf.yield %select_n3A_253, %select_n3A_254 : vector<128x1xf32>, vector<128x1xi32>
    }
    %scan3A_140 = arith.constant 10 : i32
    %swap3A_141 = arith.constant 0 : index
    %swap3A_142 = arith.constant 9 : index
    %swap3A_143 = vector.load %arg3[%swap3A_141, %swap3A_142] : memref<128x16xi32, #tpu.memory_space<vmem>>, vector<128x1xi32>
    tpu.vector_store %arg3[%swap3A_141, %swap3A_142], %scan3A_139#1 {strides = array<i32>} : memref<128x16xi32, #tpu.memory_space<vmem>>, vector<128x1xi32>,
    %broadcast_in_dim3A_144 = arith.constant 0x7F800000 : f32
    %broadcast_in_dim3A_145 = vector.broadcast %broadcast_in_dim3A_144 : f32 to vector<128x1xf32>
    %broadcast_in_dim3A_146 = arith.constant 10240 : i32
    %broadcast_in_dim3A_147 = vector.broadcast %broadcast_in_dim3A_146 : i32 to vector<128x1xi32>
    %scan3A_148 = arith.constant 0 : i32
    %scan3A_149 = arith.constant 10 : i32
    %scan3A_150 = arith.addi %scan3A_148, %scan3A_149 : i32
    %scan3A_151 = arith.constant 1 : i32
    %scan3A_152:2 = scf.for %scan3A_222 = %scan3A_148 to %scan3A_150 step %scan3A_151 iter_args(%scan3A_223 = %broadcast_in_dim3A_145, %scan3A_224 = %broadcast_in_dim3A_147) -> (vector<128x1xf32>, vector<128x1xi32>)  : i32 {
      %get3A_225 = arith.index_cast %scan3A_222 : i32 to index
      %get3A_226 = arith.constant 0 : index
      %get3A_227 = arith.constant 0 : index
      %get3A_228 = vector.load %arg4[%get3A_225, %get3A_226, %get3A_227] : memref<10x128x1024xf32, #tpu.memory_space<vmem>>, vector<1x128x1024xf32>
      %get3A_229 = vector.shape_cast %get3A_228 : vector<1x128x1024xf32> to vector<128x1024xf32>
      %mul3A_230 = arith.constant 1024 : i32
      %mul3A_231 = arith.muli %scan3A_222, %mul3A_230 : i32
      %add3A_232 = vector.broadcast %mul3A_231 : i32 to vector<128x1024xi32>
      %add3A_233 = arith.addi %add3A_232, %iota3A_6 : vector<128x1024xi32>
      %gt3A = vector.broadcast %scan3A_139#0 : vector<128x1xf32> to vector<128x1024xf32>
      %gt3A_234 = arith.cmpf ogt, %get3A_229, %gt3A : vector<128x1024xf32>
      %eq3A = vector.broadcast %scan3A_139#0 : vector<128x1xf32> to vector<128x1024xf32>
      %eq3A_235 = arith.cmpf oeq, %get3A_229, %eq3A : vector<128x1024xf32>
      %gt3A_236 = vector.broadcast %scan3A_139#1 : vector<128x1xi32> to vector<128x1024xi32>
      %gt3A_237 = arith.cmpi sgt, %add3A_233, %gt3A_236 : vector<128x1024xi32>
      %and3A = arith.andi %eq3A_235, %gt3A_237 : vector<128x1024xi1>
      %or3A = arith.ori %gt3A_234, %and3A : vector<128x1024xi1>
      %jit3A = arith.constant 0x7F800000 : f32
      %broadcast_in_dim3A_238 = vector.broadcast %jit3A : f32 to vector<128x1024xf32>
      %select_n3A = arith.select %or3A, %get3A_229, %broadcast_in_dim3A_238 : vector<128x1024xi1>, vector<128x1024xf32>
      %reduce_min3A = arith.constant dense<0x7F800000> : vector<128xf32>
      %reduce_min3A_239 = vector.multi_reduction <minimumf>, %select_n3A, %reduce_min3A [1] : vector<128x1024xf32> to vector<128xf32>
      %broadcast_in_dim3A_240 = vector.shape_cast %reduce_min3A_239 : vector<128xf32> to vector<128x1xf32>
      %eq3A_241 = vector.broadcast %broadcast_in_dim3A_240 : vector<128x1xf32> to vector<128x1024xf32>
      %eq3A_242 = arith.cmpf oeq, %select_n3A, %eq3A_241 : vector<128x1024xf32>
      %jit3A_243 = arith.constant 10240 : i32
      %broadcast_in_dim3A_244 = vector.broadcast %jit3A_243 : i32 to vector<128x1024xi32>
      %select_n3A_245 = arith.select %eq3A_242, %add3A_233, %broadcast_in_dim3A_244 : vector<128x1024xi1>, vector<128x1024xi32>
      %reduce_min3A_246 = arith.constant dense<2147483647> : vector<128xi32>
      %reduce_min3A_247 = vector.multi_reduction <minsi>, %select_n3A_245, %reduce_min3A_246 [1] : vector<128x1024xi32> to vector<128xi32>
      %broadcast_in_dim3A_248 = vector.shape_cast %reduce_min3A_247 : vector<128xi32> to vector<128x1xi32>
      %lt3A = arith.cmpf olt, %broadcast_in_dim3A_240, %scan3A_223 : vector<128x1xf32>
      %eq3A_249 = arith.cmpf oeq, %broadcast_in_dim3A_240, %scan3A_223 : vector<128x1xf32>
      %lt3A_250 = arith.cmpi slt, %broadcast_in_dim3A_248, %scan3A_224 : vector<128x1xi32>
      %and3A_251 = arith.andi %eq3A_249, %lt3A_250 : vector<128x1xi1>
      %or3A_252 = arith.ori %lt3A, %and3A_251 : vector<128x1xi1>
      %select_n3A_253 = arith.select %or3A_252, %broadcast_in_dim3A_240, %scan3A_223 : vector<128x1xi1>, vector<128x1xf32>
      %select_n3A_254 = arith.select %or3A_252, %broadcast_in_dim3A_248, %scan3A_224 : vector<128x1xi1>, vector<128x1xi32>
      scf.yield %select_n3A_253, %select_n3A_254 : vector<128x1xf32>, vector<128x1xi32>
    }
    %scan3A_153 = arith.constant 10 : i32
    %swap3A_154 = arith.constant 0 : index
    %swap3A_155 = arith.constant 10 : index
    %swap3A_156 = vector.load %arg3[%swap3A_154, %swap3A_155] : memref<128x16xi32, #tpu.memory_space<vmem>>, vector<128x1xi32>
    tpu.vector_store %arg3[%swap3A_154, %swap3A_155], %scan3A_152#1 {strides = array<i32>} : memref<128x16xi32, #tpu.memory_space<vmem>>, vector<128x1xi32>,
    %broadcast_in_dim3A_157 = arith.constant 0x7F800000 : f32
    %broadcast_in_dim3A_158 = vector.broadcast %broadcast_in_dim3A_157 : f32 to vector<128x1xf32>
    %broadcast_in_dim3A_159 = arith.constant 10240 : i32
    %broadcast_in_dim3A_160 = vector.broadcast %broadcast_in_dim3A_159 : i32 to vector<128x1xi32>
    %scan3A_161 = arith.constant 0 : i32
    %scan3A_162 = arith.constant 10 : i32
    %scan3A_163 = arith.addi %scan3A_161, %scan3A_162 : i32
    %scan3A_164 = arith.constant 1 : i32
    %scan3A_165:2 = scf.for %scan3A_222 = %scan3A_161 to %scan3A_163 step %scan3A_164 iter_args(%scan3A_223 = %broadcast_in_dim3A_158, %scan3A_224 = %broadcast_in_dim3A_160) -> (vector<128x1xf32>, vector<128x1xi32>)  : i32 {
      %get3A_225 = arith.index_cast %scan3A_222 : i32 to index
      %get3A_226 = arith.constant 0 : index
      %get3A_227 = arith.constant 0 : index
      %get3A_228 = vector.load %arg4[%get3A_225, %get3A_226, %get3A_227] : memref<10x128x1024xf32, #tpu.memory_space<vmem>>, vector<1x128x1024xf32>
      %get3A_229 = vector.shape_cast %get3A_228 : vector<1x128x1024xf32> to vector<128x1024xf32>
      %mul3A_230 = arith.constant 1024 : i32
      %mul3A_231 = arith.muli %scan3A_222, %mul3A_230 : i32
      %add3A_232 = vector.broadcast %mul3A_231 : i32 to vector<128x1024xi32>
      %add3A_233 = arith.addi %add3A_232, %iota3A_6 : vector<128x1024xi32>
      %gt3A = vector.broadcast %scan3A_152#0 : vector<128x1xf32> to vector<128x1024xf32>
      %gt3A_234 = arith.cmpf ogt, %get3A_229, %gt3A : vector<128x1024xf32>
      %eq3A = vector.broadcast %scan3A_152#0 : vector<128x1xf32> to vector<128x1024xf32>
      %eq3A_235 = arith.cmpf oeq, %get3A_229, %eq3A : vector<128x1024xf32>
      %gt3A_236 = vector.broadcast %scan3A_152#1 : vector<128x1xi32> to vector<128x1024xi32>
      %gt3A_237 = arith.cmpi sgt, %add3A_233, %gt3A_236 : vector<128x1024xi32>
      %and3A = arith.andi %eq3A_235, %gt3A_237 : vector<128x1024xi1>
      %or3A = arith.ori %gt3A_234, %and3A : vector<128x1024xi1>
      %jit3A = arith.constant 0x7F800000 : f32
      %broadcast_in_dim3A_238 = vector.broadcast %jit3A : f32 to vector<128x1024xf32>
      %select_n3A = arith.select %or3A, %get3A_229, %broadcast_in_dim3A_238 : vector<128x1024xi1>, vector<128x1024xf32>
      %reduce_min3A = arith.constant dense<0x7F800000> : vector<128xf32>
      %reduce_min3A_239 = vector.multi_reduction <minimumf>, %select_n3A, %reduce_min3A [1] : vector<128x1024xf32> to vector<128xf32>
      %broadcast_in_dim3A_240 = vector.shape_cast %reduce_min3A_239 : vector<128xf32> to vector<128x1xf32>
      %eq3A_241 = vector.broadcast %broadcast_in_dim3A_240 : vector<128x1xf32> to vector<128x1024xf32>
      %eq3A_242 = arith.cmpf oeq, %select_n3A, %eq3A_241 : vector<128x1024xf32>
      %jit3A_243 = arith.constant 10240 : i32
      %broadcast_in_dim3A_244 = vector.broadcast %jit3A_243 : i32 to vector<128x1024xi32>
      %select_n3A_245 = arith.select %eq3A_242, %add3A_233, %broadcast_in_dim3A_244 : vector<128x1024xi1>, vector<128x1024xi32>
      %reduce_min3A_246 = arith.constant dense<2147483647> : vector<128xi32>
      %reduce_min3A_247 = vector.multi_reduction <minsi>, %select_n3A_245, %reduce_min3A_246 [1] : vector<128x1024xi32> to vector<128xi32>
      %broadcast_in_dim3A_248 = vector.shape_cast %reduce_min3A_247 : vector<128xi32> to vector<128x1xi32>
      %lt3A = arith.cmpf olt, %broadcast_in_dim3A_240, %scan3A_223 : vector<128x1xf32>
      %eq3A_249 = arith.cmpf oeq, %broadcast_in_dim3A_240, %scan3A_223 : vector<128x1xf32>
      %lt3A_250 = arith.cmpi slt, %broadcast_in_dim3A_248, %scan3A_224 : vector<128x1xi32>
      %and3A_251 = arith.andi %eq3A_249, %lt3A_250 : vector<128x1xi1>
      %or3A_252 = arith.ori %lt3A, %and3A_251 : vector<128x1xi1>
      %select_n3A_253 = arith.select %or3A_252, %broadcast_in_dim3A_240, %scan3A_223 : vector<128x1xi1>, vector<128x1xf32>
      %select_n3A_254 = arith.select %or3A_252, %broadcast_in_dim3A_248, %scan3A_224 : vector<128x1xi1>, vector<128x1xi32>
      scf.yield %select_n3A_253, %select_n3A_254 : vector<128x1xf32>, vector<128x1xi32>
    }
    %scan3A_166 = arith.constant 10 : i32
    %swap3A_167 = arith.constant 0 : index
    %swap3A_168 = arith.constant 11 : index
    %swap3A_169 = vector.load %arg3[%swap3A_167, %swap3A_168] : memref<128x16xi32, #tpu.memory_space<vmem>>, vector<128x1xi32>
    tpu.vector_store %arg3[%swap3A_167, %swap3A_168], %scan3A_165#1 {strides = array<i32>} : memref<128x16xi32, #tpu.memory_space<vmem>>, vector<128x1xi32>,
    %broadcast_in_dim3A_170 = arith.constant 0x7F800000 : f32
    %broadcast_in_dim3A_171 = vector.broadcast %broadcast_in_dim3A_170 : f32 to vector<128x1xf32>
    %broadcast_in_dim3A_172 = arith.constant 10240 : i32
    %broadcast_in_dim3A_173 = vector.broadcast %broadcast_in_dim3A_172 : i32 to vector<128x1xi32>
    %scan3A_174 = arith.constant 0 : i32
    %scan3A_175 = arith.constant 10 : i32
    %scan3A_176 = arith.addi %scan3A_174, %scan3A_175 : i32
    %scan3A_177 = arith.constant 1 : i32
    %scan3A_178:2 = scf.for %scan3A_222 = %scan3A_174 to %scan3A_176 step %scan3A_177 iter_args(%scan3A_223 = %broadcast_in_dim3A_171, %scan3A_224 = %broadcast_in_dim3A_173) -> (vector<128x1xf32>, vector<128x1xi32>)  : i32 {
      %get3A_225 = arith.index_cast %scan3A_222 : i32 to index
      %get3A_226 = arith.constant 0 : index
      %get3A_227 = arith.constant 0 : index
      %get3A_228 = vector.load %arg4[%get3A_225, %get3A_226, %get3A_227] : memref<10x128x1024xf32, #tpu.memory_space<vmem>>, vector<1x128x1024xf32>
      %get3A_229 = vector.shape_cast %get3A_228 : vector<1x128x1024xf32> to vector<128x1024xf32>
      %mul3A_230 = arith.constant 1024 : i32
      %mul3A_231 = arith.muli %scan3A_222, %mul3A_230 : i32
      %add3A_232 = vector.broadcast %mul3A_231 : i32 to vector<128x1024xi32>
      %add3A_233 = arith.addi %add3A_232, %iota3A_6 : vector<128x1024xi32>
      %gt3A = vector.broadcast %scan3A_165#0 : vector<128x1xf32> to vector<128x1024xf32>
      %gt3A_234 = arith.cmpf ogt, %get3A_229, %gt3A : vector<128x1024xf32>
      %eq3A = vector.broadcast %scan3A_165#0 : vector<128x1xf32> to vector<128x1024xf32>
      %eq3A_235 = arith.cmpf oeq, %get3A_229, %eq3A : vector<128x1024xf32>
      %gt3A_236 = vector.broadcast %scan3A_165#1 : vector<128x1xi32> to vector<128x1024xi32>
      %gt3A_237 = arith.cmpi sgt, %add3A_233, %gt3A_236 : vector<128x1024xi32>
      %and3A = arith.andi %eq3A_235, %gt3A_237 : vector<128x1024xi1>
      %or3A = arith.ori %gt3A_234, %and3A : vector<128x1024xi1>
      %jit3A = arith.constant 0x7F800000 : f32
      %broadcast_in_dim3A_238 = vector.broadcast %jit3A : f32 to vector<128x1024xf32>
      %select_n3A = arith.select %or3A, %get3A_229, %broadcast_in_dim3A_238 : vector<128x1024xi1>, vector<128x1024xf32>
      %reduce_min3A = arith.constant dense<0x7F800000> : vector<128xf32>
      %reduce_min3A_239 = vector.multi_reduction <minimumf>, %select_n3A, %reduce_min3A [1] : vector<128x1024xf32> to vector<128xf32>
      %broadcast_in_dim3A_240 = vector.shape_cast %reduce_min3A_239 : vector<128xf32> to vector<128x1xf32>
      %eq3A_241 = vector.broadcast %broadcast_in_dim3A_240 : vector<128x1xf32> to vector<128x1024xf32>
      %eq3A_242 = arith.cmpf oeq, %select_n3A, %eq3A_241 : vector<128x1024xf32>
      %jit3A_243 = arith.constant 10240 : i32
      %broadcast_in_dim3A_244 = vector.broadcast %jit3A_243 : i32 to vector<128x1024xi32>
      %select_n3A_245 = arith.select %eq3A_242, %add3A_233, %broadcast_in_dim3A_244 : vector<128x1024xi1>, vector<128x1024xi32>
      %reduce_min3A_246 = arith.constant dense<2147483647> : vector<128xi32>
      %reduce_min3A_247 = vector.multi_reduction <minsi>, %select_n3A_245, %reduce_min3A_246 [1] : vector<128x1024xi32> to vector<128xi32>
      %broadcast_in_dim3A_248 = vector.shape_cast %reduce_min3A_247 : vector<128xi32> to vector<128x1xi32>
      %lt3A = arith.cmpf olt, %broadcast_in_dim3A_240, %scan3A_223 : vector<128x1xf32>
      %eq3A_249 = arith.cmpf oeq, %broadcast_in_dim3A_240, %scan3A_223 : vector<128x1xf32>
      %lt3A_250 = arith.cmpi slt, %broadcast_in_dim3A_248, %scan3A_224 : vector<128x1xi32>
      %and3A_251 = arith.andi %eq3A_249, %lt3A_250 : vector<128x1xi1>
      %or3A_252 = arith.ori %lt3A, %and3A_251 : vector<128x1xi1>
      %select_n3A_253 = arith.select %or3A_252, %broadcast_in_dim3A_240, %scan3A_223 : vector<128x1xi1>, vector<128x1xf32>
      %select_n3A_254 = arith.select %or3A_252, %broadcast_in_dim3A_248, %scan3A_224 : vector<128x1xi1>, vector<128x1xi32>
      scf.yield %select_n3A_253, %select_n3A_254 : vector<128x1xf32>, vector<128x1xi32>
    }
    %scan3A_179 = arith.constant 10 : i32
    %swap3A_180 = arith.constant 0 : index
    %swap3A_181 = arith.constant 12 : index
    %swap3A_182 = vector.load %arg3[%swap3A_180, %swap3A_181] : memref<128x16xi32, #tpu.memory_space<vmem>>, vector<128x1xi32>
    tpu.vector_store %arg3[%swap3A_180, %swap3A_181], %scan3A_178#1 {strides = array<i32>} : memref<128x16xi32, #tpu.memory_space<vmem>>, vector<128x1xi32>,
    %broadcast_in_dim3A_183 = arith.constant 0x7F800000 : f32
    %broadcast_in_dim3A_184 = vector.broadcast %broadcast_in_dim3A_183 : f32 to vector<128x1xf32>
    %broadcast_in_dim3A_185 = arith.constant 10240 : i32
    %broadcast_in_dim3A_186 = vector.broadcast %broadcast_in_dim3A_185 : i32 to vector<128x1xi32>
    %scan3A_187 = arith.constant 0 : i32
    %scan3A_188 = arith.constant 10 : i32
    %scan3A_189 = arith.addi %scan3A_187, %scan3A_188 : i32
    %scan3A_190 = arith.constant 1 : i32
    %scan3A_191:2 = scf.for %scan3A_222 = %scan3A_187 to %scan3A_189 step %scan3A_190 iter_args(%scan3A_223 = %broadcast_in_dim3A_184, %scan3A_224 = %broadcast_in_dim3A_186) -> (vector<128x1xf32>, vector<128x1xi32>)  : i32 {
      %get3A_225 = arith.index_cast %scan3A_222 : i32 to index
      %get3A_226 = arith.constant 0 : index
      %get3A_227 = arith.constant 0 : index
      %get3A_228 = vector.load %arg4[%get3A_225, %get3A_226, %get3A_227] : memref<10x128x1024xf32, #tpu.memory_space<vmem>>, vector<1x128x1024xf32>
      %get3A_229 = vector.shape_cast %get3A_228 : vector<1x128x1024xf32> to vector<128x1024xf32>
      %mul3A_230 = arith.constant 1024 : i32
      %mul3A_231 = arith.muli %scan3A_222, %mul3A_230 : i32
      %add3A_232 = vector.broadcast %mul3A_231 : i32 to vector<128x1024xi32>
      %add3A_233 = arith.addi %add3A_232, %iota3A_6 : vector<128x1024xi32>
      %gt3A = vector.broadcast %scan3A_178#0 : vector<128x1xf32> to vector<128x1024xf32>
      %gt3A_234 = arith.cmpf ogt, %get3A_229, %gt3A : vector<128x1024xf32>
      %eq3A = vector.broadcast %scan3A_178#0 : vector<128x1xf32> to vector<128x1024xf32>
      %eq3A_235 = arith.cmpf oeq, %get3A_229, %eq3A : vector<128x1024xf32>
      %gt3A_236 = vector.broadcast %scan3A_178#1 : vector<128x1xi32> to vector<128x1024xi32>
      %gt3A_237 = arith.cmpi sgt, %add3A_233, %gt3A_236 : vector<128x1024xi32>
      %and3A = arith.andi %eq3A_235, %gt3A_237 : vector<128x1024xi1>
      %or3A = arith.ori %gt3A_234, %and3A : vector<128x1024xi1>
      %jit3A = arith.constant 0x7F800000 : f32
      %broadcast_in_dim3A_238 = vector.broadcast %jit3A : f32 to vector<128x1024xf32>
      %select_n3A = arith.select %or3A, %get3A_229, %broadcast_in_dim3A_238 : vector<128x1024xi1>, vector<128x1024xf32>
      %reduce_min3A = arith.constant dense<0x7F800000> : vector<128xf32>
      %reduce_min3A_239 = vector.multi_reduction <minimumf>, %select_n3A, %reduce_min3A [1] : vector<128x1024xf32> to vector<128xf32>
      %broadcast_in_dim3A_240 = vector.shape_cast %reduce_min3A_239 : vector<128xf32> to vector<128x1xf32>
      %eq3A_241 = vector.broadcast %broadcast_in_dim3A_240 : vector<128x1xf32> to vector<128x1024xf32>
      %eq3A_242 = arith.cmpf oeq, %select_n3A, %eq3A_241 : vector<128x1024xf32>
      %jit3A_243 = arith.constant 10240 : i32
      %broadcast_in_dim3A_244 = vector.broadcast %jit3A_243 : i32 to vector<128x1024xi32>
      %select_n3A_245 = arith.select %eq3A_242, %add3A_233, %broadcast_in_dim3A_244 : vector<128x1024xi1>, vector<128x1024xi32>
      %reduce_min3A_246 = arith.constant dense<2147483647> : vector<128xi32>
      %reduce_min3A_247 = vector.multi_reduction <minsi>, %select_n3A_245, %reduce_min3A_246 [1] : vector<128x1024xi32> to vector<128xi32>
      %broadcast_in_dim3A_248 = vector.shape_cast %reduce_min3A_247 : vector<128xi32> to vector<128x1xi32>
      %lt3A = arith.cmpf olt, %broadcast_in_dim3A_240, %scan3A_223 : vector<128x1xf32>
      %eq3A_249 = arith.cmpf oeq, %broadcast_in_dim3A_240, %scan3A_223 : vector<128x1xf32>
      %lt3A_250 = arith.cmpi slt, %broadcast_in_dim3A_248, %scan3A_224 : vector<128x1xi32>
      %and3A_251 = arith.andi %eq3A_249, %lt3A_250 : vector<128x1xi1>
      %or3A_252 = arith.ori %lt3A, %and3A_251 : vector<128x1xi1>
      %select_n3A_253 = arith.select %or3A_252, %broadcast_in_dim3A_240, %scan3A_223 : vector<128x1xi1>, vector<128x1xf32>
      %select_n3A_254 = arith.select %or3A_252, %broadcast_in_dim3A_248, %scan3A_224 : vector<128x1xi1>, vector<128x1xi32>
      scf.yield %select_n3A_253, %select_n3A_254 : vector<128x1xf32>, vector<128x1xi32>
    }
    %scan3A_192 = arith.constant 10 : i32
    %swap3A_193 = arith.constant 0 : index
    %swap3A_194 = arith.constant 13 : index
    %swap3A_195 = vector.load %arg3[%swap3A_193, %swap3A_194] : memref<128x16xi32, #tpu.memory_space<vmem>>, vector<128x1xi32>
    tpu.vector_store %arg3[%swap3A_193, %swap3A_194], %scan3A_191#1 {strides = array<i32>} : memref<128x16xi32, #tpu.memory_space<vmem>>, vector<128x1xi32>,
    %broadcast_in_dim3A_196 = arith.constant 0x7F800000 : f32
    %broadcast_in_dim3A_197 = vector.broadcast %broadcast_in_dim3A_196 : f32 to vector<128x1xf32>
    %broadcast_in_dim3A_198 = arith.constant 10240 : i32
    %broadcast_in_dim3A_199 = vector.broadcast %broadcast_in_dim3A_198 : i32 to vector<128x1xi32>
    %scan3A_200 = arith.constant 0 : i32
    %scan3A_201 = arith.constant 10 : i32
    %scan3A_202 = arith.addi %scan3A_200, %scan3A_201 : i32
    %scan3A_203 = arith.constant 1 : i32
    %scan3A_204:2 = scf.for %scan3A_222 = %scan3A_200 to %scan3A_202 step %scan3A_203 iter_args(%scan3A_223 = %broadcast_in_dim3A_197, %scan3A_224 = %broadcast_in_dim3A_199) -> (vector<128x1xf32>, vector<128x1xi32>)  : i32 {
      %get3A_225 = arith.index_cast %scan3A_222 : i32 to index
      %get3A_226 = arith.constant 0 : index
      %get3A_227 = arith.constant 0 : index
      %get3A_228 = vector.load %arg4[%get3A_225, %get3A_226, %get3A_227] : memref<10x128x1024xf32, #tpu.memory_space<vmem>>, vector<1x128x1024xf32>
      %get3A_229 = vector.shape_cast %get3A_228 : vector<1x128x1024xf32> to vector<128x1024xf32>
      %mul3A_230 = arith.constant 1024 : i32
      %mul3A_231 = arith.muli %scan3A_222, %mul3A_230 : i32
      %add3A_232 = vector.broadcast %mul3A_231 : i32 to vector<128x1024xi32>
      %add3A_233 = arith.addi %add3A_232, %iota3A_6 : vector<128x1024xi32>
      %gt3A = vector.broadcast %scan3A_191#0 : vector<128x1xf32> to vector<128x1024xf32>
      %gt3A_234 = arith.cmpf ogt, %get3A_229, %gt3A : vector<128x1024xf32>
      %eq3A = vector.broadcast %scan3A_191#0 : vector<128x1xf32> to vector<128x1024xf32>
      %eq3A_235 = arith.cmpf oeq, %get3A_229, %eq3A : vector<128x1024xf32>
      %gt3A_236 = vector.broadcast %scan3A_191#1 : vector<128x1xi32> to vector<128x1024xi32>
      %gt3A_237 = arith.cmpi sgt, %add3A_233, %gt3A_236 : vector<128x1024xi32>
      %and3A = arith.andi %eq3A_235, %gt3A_237 : vector<128x1024xi1>
      %or3A = arith.ori %gt3A_234, %and3A : vector<128x1024xi1>
      %jit3A = arith.constant 0x7F800000 : f32
      %broadcast_in_dim3A_238 = vector.broadcast %jit3A : f32 to vector<128x1024xf32>
      %select_n3A = arith.select %or3A, %get3A_229, %broadcast_in_dim3A_238 : vector<128x1024xi1>, vector<128x1024xf32>
      %reduce_min3A = arith.constant dense<0x7F800000> : vector<128xf32>
      %reduce_min3A_239 = vector.multi_reduction <minimumf>, %select_n3A, %reduce_min3A [1] : vector<128x1024xf32> to vector<128xf32>
      %broadcast_in_dim3A_240 = vector.shape_cast %reduce_min3A_239 : vector<128xf32> to vector<128x1xf32>
      %eq3A_241 = vector.broadcast %broadcast_in_dim3A_240 : vector<128x1xf32> to vector<128x1024xf32>
      %eq3A_242 = arith.cmpf oeq, %select_n3A, %eq3A_241 : vector<128x1024xf32>
      %jit3A_243 = arith.constant 10240 : i32
      %broadcast_in_dim3A_244 = vector.broadcast %jit3A_243 : i32 to vector<128x1024xi32>
      %select_n3A_245 = arith.select %eq3A_242, %add3A_233, %broadcast_in_dim3A_244 : vector<128x1024xi1>, vector<128x1024xi32>
      %reduce_min3A_246 = arith.constant dense<2147483647> : vector<128xi32>
      %reduce_min3A_247 = vector.multi_reduction <minsi>, %select_n3A_245, %reduce_min3A_246 [1] : vector<128x1024xi32> to vector<128xi32>
      %broadcast_in_dim3A_248 = vector.shape_cast %reduce_min3A_247 : vector<128xi32> to vector<128x1xi32>
      %lt3A = arith.cmpf olt, %broadcast_in_dim3A_240, %scan3A_223 : vector<128x1xf32>
      %eq3A_249 = arith.cmpf oeq, %broadcast_in_dim3A_240, %scan3A_223 : vector<128x1xf32>
      %lt3A_250 = arith.cmpi slt, %broadcast_in_dim3A_248, %scan3A_224 : vector<128x1xi32>
      %and3A_251 = arith.andi %eq3A_249, %lt3A_250 : vector<128x1xi1>
      %or3A_252 = arith.ori %lt3A, %and3A_251 : vector<128x1xi1>
      %select_n3A_253 = arith.select %or3A_252, %broadcast_in_dim3A_240, %scan3A_223 : vector<128x1xi1>, vector<128x1xf32>
      %select_n3A_254 = arith.select %or3A_252, %broadcast_in_dim3A_248, %scan3A_224 : vector<128x1xi1>, vector<128x1xi32>
      scf.yield %select_n3A_253, %select_n3A_254 : vector<128x1xf32>, vector<128x1xi32>
    }
    %scan3A_205 = arith.constant 10 : i32
    %swap3A_206 = arith.constant 0 : index
    %swap3A_207 = arith.constant 14 : index
    %swap3A_208 = vector.load %arg3[%swap3A_206, %swap3A_207] : memref<128x16xi32, #tpu.memory_space<vmem>>, vector<128x1xi32>
    tpu.vector_store %arg3[%swap3A_206, %swap3A_207], %scan3A_204#1 {strides = array<i32>} : memref<128x16xi32, #tpu.memory_space<vmem>>, vector<128x1xi32>,
    %broadcast_in_dim3A_209 = arith.constant 0x7F800000 : f32
    %broadcast_in_dim3A_210 = vector.broadcast %broadcast_in_dim3A_209 : f32 to vector<128x1xf32>
    %broadcast_in_dim3A_211 = arith.constant 10240 : i32
    %broadcast_in_dim3A_212 = vector.broadcast %broadcast_in_dim3A_211 : i32 to vector<128x1xi32>
    %scan3A_213 = arith.constant 0 : i32
    %scan3A_214 = arith.constant 10 : i32
    %scan3A_215 = arith.addi %scan3A_213, %scan3A_214 : i32
    %scan3A_216 = arith.constant 1 : i32
    %scan3A_217:2 = scf.for %scan3A_222 = %scan3A_213 to %scan3A_215 step %scan3A_216 iter_args(%scan3A_223 = %broadcast_in_dim3A_210, %scan3A_224 = %broadcast_in_dim3A_212) -> (vector<128x1xf32>, vector<128x1xi32>)  : i32 {
      %get3A_225 = arith.index_cast %scan3A_222 : i32 to index
      %get3A_226 = arith.constant 0 : index
      %get3A_227 = arith.constant 0 : index
      %get3A_228 = vector.load %arg4[%get3A_225, %get3A_226, %get3A_227] : memref<10x128x1024xf32, #tpu.memory_space<vmem>>, vector<1x128x1024xf32>
      %get3A_229 = vector.shape_cast %get3A_228 : vector<1x128x1024xf32> to vector<128x1024xf32>
      %mul3A_230 = arith.constant 1024 : i32
      %mul3A_231 = arith.muli %scan3A_222, %mul3A_230 : i32
      %add3A_232 = vector.broadcast %mul3A_231 : i32 to vector<128x1024xi32>
      %add3A_233 = arith.addi %add3A_232, %iota3A_6 : vector<128x1024xi32>
      %gt3A = vector.broadcast %scan3A_204#0 : vector<128x1xf32> to vector<128x1024xf32>
      %gt3A_234 = arith.cmpf ogt, %get3A_229, %gt3A : vector<128x1024xf32>
      %eq3A = vector.broadcast %scan3A_204#0 : vector<128x1xf32> to vector<128x1024xf32>
      %eq3A_235 = arith.cmpf oeq, %get3A_229, %eq3A : vector<128x1024xf32>
      %gt3A_236 = vector.broadcast %scan3A_204#1 : vector<128x1xi32> to vector<128x1024xi32>
      %gt3A_237 = arith.cmpi sgt, %add3A_233, %gt3A_236 : vector<128x1024xi32>
      %and3A = arith.andi %eq3A_235, %gt3A_237 : vector<128x1024xi1>
      %or3A = arith.ori %gt3A_234, %and3A : vector<128x1024xi1>
      %jit3A = arith.constant 0x7F800000 : f32
      %broadcast_in_dim3A_238 = vector.broadcast %jit3A : f32 to vector<128x1024xf32>
      %select_n3A = arith.select %or3A, %get3A_229, %broadcast_in_dim3A_238 : vector<128x1024xi1>, vector<128x1024xf32>
      %reduce_min3A = arith.constant dense<0x7F800000> : vector<128xf32>
      %reduce_min3A_239 = vector.multi_reduction <minimumf>, %select_n3A, %reduce_min3A [1] : vector<128x1024xf32> to vector<128xf32>
      %broadcast_in_dim3A_240 = vector.shape_cast %reduce_min3A_239 : vector<128xf32> to vector<128x1xf32>
      %eq3A_241 = vector.broadcast %broadcast_in_dim3A_240 : vector<128x1xf32> to vector<128x1024xf32>
      %eq3A_242 = arith.cmpf oeq, %select_n3A, %eq3A_241 : vector<128x1024xf32>
      %jit3A_243 = arith.constant 10240 : i32
      %broadcast_in_dim3A_244 = vector.broadcast %jit3A_243 : i32 to vector<128x1024xi32>
      %select_n3A_245 = arith.select %eq3A_242, %add3A_233, %broadcast_in_dim3A_244 : vector<128x1024xi1>, vector<128x1024xi32>
      %reduce_min3A_246 = arith.constant dense<2147483647> : vector<128xi32>
      %reduce_min3A_247 = vector.multi_reduction <minsi>, %select_n3A_245, %reduce_min3A_246 [1] : vector<128x1024xi32> to vector<128xi32>
      %broadcast_in_dim3A_248 = vector.shape_cast %reduce_min3A_247 : vector<128xi32> to vector<128x1xi32>
      %lt3A = arith.cmpf olt, %broadcast_in_dim3A_240, %scan3A_223 : vector<128x1xf32>
      %eq3A_249 = arith.cmpf oeq, %broadcast_in_dim3A_240, %scan3A_223 : vector<128x1xf32>
      %lt3A_250 = arith.cmpi slt, %broadcast_in_dim3A_248, %scan3A_224 : vector<128x1xi32>
      %and3A_251 = arith.andi %eq3A_249, %lt3A_250 : vector<128x1xi1>
      %or3A_252 = arith.ori %lt3A, %and3A_251 : vector<128x1xi1>
      %select_n3A_253 = arith.select %or3A_252, %broadcast_in_dim3A_240, %scan3A_223 : vector<128x1xi1>, vector<128x1xf32>
      %select_n3A_254 = arith.select %or3A_252, %broadcast_in_dim3A_248, %scan3A_224 : vector<128x1xi1>, vector<128x1xi32>
      scf.yield %select_n3A_253, %select_n3A_254 : vector<128x1xf32>, vector<128x1xi32>
    }
    %scan3A_218 = arith.constant 10 : i32
    %swap3A_219 = arith.constant 0 : index
    %swap3A_220 = arith.constant 15 : index
    %swap3A_221 = vector.load %arg3[%swap3A_219, %swap3A_220] : memref<128x16xi32, #tpu.memory_space<vmem>>, vector<128x1xi32>
    tpu.vector_store %arg3[%swap3A_219, %swap3A_220], %scan3A_217#1 {strides = array<i32>} : memref<128x16xi32, #tpu.memory_space<vmem>>, vector<128x1xi32>,
    return
  }
  func.func @transform_0(%arg0: i32) -> (i32, i32) {
    %c0_i32 = arith.constant 0 : i32
    %c0_i32_0 = arith.constant 0 : i32
    return %arg0, %c0_i32 : i32, i32
  }
  func.func @transform_1(%arg0: i32) -> (i32, i32, i32) {
    %c0_i32 = arith.constant 0 : i32
    %c0_i32_0 = arith.constant 0 : i32
    %c0_i32_1 = arith.constant 0 : i32
    %c0_i32_2 = arith.constant 0 : i32
    return %c0_i32, %c0_i32_0, %c0_i32_1 : i32, i32, i32
  }
  func.func @transform_2(%arg0: i32) -> (i32, i32) {
    %c0_i32 = arith.constant 0 : i32
    %c0_i32_0 = arith.constant 0 : i32
    return %arg0, %c0_i32 : i32, i32
  }
}

module attributes {stable_mosaic.version = 14 : i64} {
  func.func @_final_body(%arg0: i32, %arg1: memref<1000x128xf32, #tpu.memory_space<vmem>>, %arg2: memref<1x1000x128xf32, #tpu.memory_space<vmem>>, %arg3: memref<1x1000x128xf32, #tpu.memory_space<vmem>>, %arg4: memref<1x1000x128xf32, #tpu.memory_space<vmem>>, %arg5: memref<1x1000x128xf32, #tpu.memory_space<vmem>>, %arg6: memref<128x128xf32, #tpu.memory_space<vmem>>, %arg7: memref<128x128xf32, #tpu.memory_space<vmem>>, %arg8: memref<1x128xf32, #tpu.memory_space<vmem>>, %arg9: memref<1000x128xf32, #tpu.memory_space<vmem>>) attributes {dimension_semantics = [#tpu.dimension_semantics<arbitrary>], iteration_bounds = array<i64: 10>, scalar_prefetch = 0 : i64, scratch_operands = 0 : i64, tpu.core_type = #tpu.core_type<tc>, window_params = [{transform_indices = @transform_0, window_bounds = array<i64: 1000, 128>}, {transform_indices = @transform_1, window_bounds = array<i64: 1, 1000, 128>}, {transform_indices = @transform_2, window_bounds = array<i64: 1, 1000, 128>}, {transform_indices = @transform_3, window_bounds = array<i64: 1, 1000, 128>}, {transform_indices = @transform_4, window_bounds = array<i64: 1, 1000, 128>}, {pipeline_mode = #tpu.pipeline_mode<synchronous>, transform_indices = @transform_5, window_bounds = array<i64: 128, 128>}, {pipeline_mode = #tpu.pipeline_mode<synchronous>, transform_indices = @transform_6, window_bounds = array<i64: 128, 128>}, {pipeline_mode = #tpu.pipeline_mode<synchronous>, transform_indices = @transform_7, window_bounds = array<i64: 1, 128>}, {transform_indices = @transform_8, window_bounds = array<i64: 1000, 128>}]} {
    %get3A = arith.constant 0 : index
    %get3A_0 = arith.constant 0 : index
    %get3A_1 = vector.load %arg1[%get3A, %get3A_0] : memref<1000x128xf32, #tpu.memory_space<vmem>>, vector<1000x128xf32>
    %get3A_2 = arith.constant 0 : index
    %get3A_3 = arith.constant 0 : index
    %get3A_4 = arith.constant 0 : index
    %get3A_5 = vector.load %arg2[%get3A_2, %get3A_3, %get3A_4] : memref<1x1000x128xf32, #tpu.memory_space<vmem>>, vector<1x1000x128xf32>
    %get3A_6 = vector.shape_cast %get3A_5 : vector<1x1000x128xf32> to vector<1000x128xf32>
    %get3A_7 = arith.constant 0 : index
    %get3A_8 = arith.constant 0 : index
    %get3A_9 = arith.constant 0 : index
    %get3A_10 = vector.load %arg3[%get3A_7, %get3A_8, %get3A_9] : memref<1x1000x128xf32, #tpu.memory_space<vmem>>, vector<1x1000x128xf32>
    %get3A_11 = vector.shape_cast %get3A_10 : vector<1x1000x128xf32> to vector<1000x128xf32>
    %add3A = arith.addf %get3A_6, %get3A_11 : vector<1000x128xf32>
    %get3A_12 = arith.constant 0 : index
    %get3A_13 = arith.constant 0 : index
    %get3A_14 = arith.constant 0 : index
    %get3A_15 = vector.load %arg4[%get3A_12, %get3A_13, %get3A_14] : memref<1x1000x128xf32, #tpu.memory_space<vmem>>, vector<1x1000x128xf32>
    %get3A_16 = vector.shape_cast %get3A_15 : vector<1x1000x128xf32> to vector<1000x128xf32>
    %slice3A = vector.extract_strided_slice %get3A_16 {offsets = [0, 0], sizes = [1000, 1], strides = [1, 1]} : vector<1000x128xf32> to vector<1000x1xf32>
    %get3A_17 = arith.constant 0 : index
    %get3A_18 = arith.constant 0 : index
    %get3A_19 = arith.constant 0 : index
    %get3A_20 = vector.load %arg5[%get3A_17, %get3A_18, %get3A_19] : memref<1x1000x128xf32, #tpu.memory_space<vmem>>, vector<1x1000x128xf32>
    %get3A_21 = vector.shape_cast %get3A_20 : vector<1x1000x128xf32> to vector<1000x128xf32>
    %slice3A_22 = vector.extract_strided_slice %get3A_21 {offsets = [0, 0], sizes = [1000, 1], strides = [1, 1]} : vector<1000x128xf32> to vector<1000x1xf32>
    %add3A_23 = arith.addf %slice3A, %slice3A_22 : vector<1000x1xf32>
    %div3A = vector.broadcast %add3A_23 : vector<1000x1xf32> to vector<1000x128xf32>
    %div3A_24 = arith.divf %add3A, %div3A : vector<1000x128xf32>
    %get3A_25 = arith.constant 0 : index
    %get3A_26 = arith.constant 0 : index
    %get3A_27 = vector.load %arg6[%get3A_25, %get3A_26] : memref<128x128xf32, #tpu.memory_space<vmem>>, vector<128x128xf32>
    %dot_general3A = arith.constant dense<0.000000e+00> : vector<1000x128xf32>
    %dot_general3A_28 = tpu.matmul %get3A_1, %get3A_27, %dot_general3A {dimension_numbers = #tpu.dot_dimension_numbers<[1], [0], [0], [1], [0, 0, 1, 1], [], []>, transpose_lhs_hint = false} : vector<1000x128xf32>, vector<128x128xf32>, vector<1000x128xf32> -> vector<1000x128xf32>
    %get3A_29 = arith.constant 0 : index
    %get3A_30 = arith.constant 0 : index
    %get3A_31 = vector.load %arg7[%get3A_29, %get3A_30] : memref<128x128xf32, #tpu.memory_space<vmem>>, vector<128x128xf32>
    %dot_general3A_32 = arith.constant dense<0.000000e+00> : vector<1000x128xf32>
    %dot_general3A_33 = tpu.matmul %div3A_24, %get3A_31, %dot_general3A_32 {dimension_numbers = #tpu.dot_dimension_numbers<[1], [0], [0], [1], [0, 0, 1, 1], [], []>, transpose_lhs_hint = false} : vector<1000x128xf32>, vector<128x128xf32>, vector<1000x128xf32> -> vector<1000x128xf32>
    %add3A_34 = arith.addf %dot_general3A_28, %dot_general3A_33 : vector<1000x128xf32>
    %get3A_35 = arith.constant 0 : index
    %get3A_36 = arith.constant 0 : index
    %get3A_37 = vector.load %arg8[%get3A_35, %get3A_36] : memref<1x128xf32, #tpu.memory_space<vmem>>, vector<1x128xf32>
    %add3A_38 = vector.broadcast %get3A_37 : vector<1x128xf32> to vector<1000x128xf32>
    %add3A_39 = arith.addf %add3A_34, %add3A_38 : vector<1000x128xf32>
    %max3A = arith.constant 0.000000e+00 : f32
    %max3A_40 = vector.broadcast %max3A : f32 to vector<1000x128xf32>
    %max3A_41 = arith.maximumf %add3A_39, %max3A_40 : vector<1000x128xf32>
    %swap3A = arith.constant 0 : index
    %swap3A_42 = arith.constant 0 : index
    %swap3A_43 = vector.load %arg9[%swap3A, %swap3A_42] : memref<1000x128xf32, #tpu.memory_space<vmem>>, vector<1000x128xf32>
    tpu.vector_store %arg9[%swap3A, %swap3A_42], %max3A_41 {strides = array<i32>} : memref<1000x128xf32, #tpu.memory_space<vmem>>, vector<1000x128xf32>,
    return
  }
  func.func @transform_0(%arg0: i32) -> (i32, i32) {
    %c0_i32 = arith.constant 0 : i32
    %c0_i32_0 = arith.constant 0 : i32
    return %arg0, %c0_i32 : i32, i32
  }
  func.func @transform_1(%arg0: i32) -> (i32, i32, i32) {
    %c0_i32 = arith.constant 0 : i32
    %c0_i32_0 = arith.constant 0 : i32
    %c0_i32_1 = arith.constant 0 : i32
    return %c0_i32, %arg0, %c0_i32_0 : i32, i32, i32
  }
  func.func @transform_2(%arg0: i32) -> (i32, i32, i32) {
    %c1_i32 = arith.constant 1 : i32
    %c0_i32 = arith.constant 0 : i32
    %c0_i32_0 = arith.constant 0 : i32
    return %c1_i32, %arg0, %c0_i32 : i32, i32, i32
  }
  func.func @transform_3(%arg0: i32) -> (i32, i32, i32) {
    %c0_i32 = arith.constant 0 : i32
    %c0_i32_0 = arith.constant 0 : i32
    %c0_i32_1 = arith.constant 0 : i32
    return %c0_i32, %arg0, %c0_i32_0 : i32, i32, i32
  }
  func.func @transform_4(%arg0: i32) -> (i32, i32, i32) {
    %c1_i32 = arith.constant 1 : i32
    %c0_i32 = arith.constant 0 : i32
    %c0_i32_0 = arith.constant 0 : i32
    return %c1_i32, %arg0, %c0_i32 : i32, i32, i32
  }
  func.func @transform_5(%arg0: i32) -> (i32, i32) {
    %c0_i32 = arith.constant 0 : i32
    %c0_i32_0 = arith.constant 0 : i32
    %c0_i32_1 = arith.constant 0 : i32
    return %c0_i32, %c0_i32_0 : i32, i32
  }
  func.func @transform_6(%arg0: i32) -> (i32, i32) {
    %c0_i32 = arith.constant 0 : i32
    %c0_i32_0 = arith.constant 0 : i32
    %c0_i32_1 = arith.constant 0 : i32
    return %c0_i32, %c0_i32_0 : i32, i32
  }
  func.func @transform_7(%arg0: i32) -> (i32, i32) {
    %c0_i32 = arith.constant 0 : i32
    %c0_i32_0 = arith.constant 0 : i32
    %c0_i32_1 = arith.constant 0 : i32
    return %c0_i32, %c0_i32_0 : i32, i32
  }
  func.func @transform_8(%arg0: i32) -> (i32, i32) {
    %c0_i32 = arith.constant 0 : i32
    %c0_i32_0 = arith.constant 0 : i32
    return %arg0, %c0_i32 : i32, i32
  }
}

</mosaic_0001>

<sc_bundles>
// kernel: kernel.5.cloned.1.call-start
scs
__scs_entry_jumppad:
0x0: {  	(pc) =	sbr.rel $0x88, $3  }
0x1: {  	(tag) =	ssettag $0x0;
	lr =	simm.s32 $0x1  }
0x2: {  	[smem:$0x3F9A] =	sst lr;
	_ =	strace $0xD0000000  }
0x3: {  	_ = 	snop  }
0x4: {  	_ = 	snop  }
0x5: {  	_ = 	snop  }
0x6: {  	_ = 	snop  }
0x7: {  	_ = 	snop  }
__scs_overlays_trampoline_lowered:
0x8: {  	[smem:$0x3FA9] =	sst s0  }
0x9: {  	[smem:$0x3FAA] =	sst s1  }
0xa: {  	[smem:$0x3FAB] =	sst s2  }
0xb: {  	[smem:$0x3FAC] =	sst s3  }
0xc: {  	[smem:$0x3FAD] =	sst s4  }
0xd: {  	[smem:$0x3FAE] =	sst s5  }
0xe: {  	[smem:$0x3FAF] =	sst s6  }
0xf: {  	[smem:$0x3FB0] =	sst s7  }
0x10: {  	[smem:$0x3FB1] =	sst s8  }
0x11: {  	[smem:$0x3FB2] =	sst s9;
	s0 =	simm.s32 @!p0 $0x0  }
0x12: {  	s1 =	sld [smem:$0x3F98];
	s0 =	simm.s32 @p0 $0x1  }
0x13: {  	[smem:$0x3FB3] =	sst s0;
	s0 =	simm.s32 @!p1 $0x0  }
0x14: {  	s2 =	sld [smem:$0x3F97];
	s0 =	simm.s32 @p1 $0x1  }
0x15: {  	[smem:$0x3FB4] =	sst s0;
	s0 =	simm.s32 @!p2 $0x0  }
0x16: {  	s3 =	sld [smem:$0x3FDB];
	s0 =	simm.s32 @p2 $0x1  }
0x17: {  	s4 =	simm.s32 $0x1BF5;
	[smem:$0x3FB6] =	sst s0  }
0x18: {  	s0 =	sld [smem:$0x3F99];
	_ =	swait.ge [sflag:s4], $0x0  }
0x19: {  	s7 =	sld [smem:$0x3F9A]  }
0x1a: {  	s8 =	sadd.s32 $0xFFFFE003, lr  }
0x1b: {  	s9 =	sadd.s32 $0xFFFFFEF7, lr;
	s5 =	simm.s32 $0xFFFFFFFF;
	p2 =	slt.u32 s8, $0xFFFFF086  }
0x1c: {  	p1 =	slt.u32 s9, $0xF7A;
	s5 =	simm.s32 @!p2 $0x0  }
0x1d: {  	s5 =	simm.s32 @p1 $0x1;
	p0 =	seq.s32 s7, s2  }
0x1e: {  	s7 =	smul.u32 @!p0 $0xF7A, s2;
	p2 =	seq.s32 @!p0 s5, $0x0  }
0x1f: {  	s9 =	smul.u32 $0xF7A, s1;
	s8 =	simm.s32 @!p0 $0x1BF5;
	p2 =	por !p2, p0  }
0x20: {  	[sflag:s8] =	ssyncset.s32 @!p0 $0xFFFFF086;
	s6 =	sadd.s32 @!p0 s3, s7;
	s7 =	simm.s32 @!p0 $0x108  }
0x21: {  	s3 =	sadd.s32 s3, s9;
	s6 =	sadd.s32 @!p0 $0x88, s6;
	s7 =	simm.s32 @p2 $0x1082  }
0x22: {  	[simem:s7], [sflag:s8] =	dma.local @!p0 [hbm:s6], $0xF7A  }
0x23: {  	s9 =	sor.u32 $0xD0000000, s2;
	s6 =	simm.s32 $0x108;
	_ =	swait.ge @!p0 [sflag:s8], $0x0  }
0x24: {  	s3 =	sadd.s32 $0x88, s3;
	s6 =	simm.s32 @!p1 $0x1082;
	[sflag:s4] =	ssyncset.s32 $0xFFFFF086  }
0x25: {  	[simem:s6], [sflag:s4] =	dma.local [hbm:s3], $0xF7A  }
0x26: {  	[smem:$0x3F9A] =	sst s1;
	(tag) =	ssettag s2;
	_ =	strace s9  }
0x27: {  	s1 =	sld [smem:$0x3FAA]  }
0x28: {  	s2 =	sld [smem:$0x3FAB]  }
0x29: {  	s4 =	sld [smem:$0x3FAD]  }
0x2a: {  	p0 =	seq.s32 s5, $0x0;
	s5 =	sld [smem:$0x3FAE]  }
0x2b: {  	s6 =	sld [smem:$0x3FAF]  }
0x2c: {  	s7 =	sld [smem:$0x3FB0]  }
0x2d: {  	s3 =	simm.s32 $0x108;
	s8 =	sld [smem:$0x3FB1]  }
0x2e: {  	s3 =	simm.s32 @!p0 $0x1082;
	s9 =	sld [smem:$0x3FB2]  }
0x2f: {  	lr =	sadd.s32 s0, s3;
	s0 =	sld [smem:$0x3FA9]  }
0x30: {  	s3 =	sld [smem:$0x3FAC]  }
0x31: {  	[smem:$0x3FB5] =	sst s10  }
0x32: {  	s10 =	sld [smem:$0x3FB3];
	_ =	sdelay $0x3  }
0x33: {  	p0 =	seq.s32 s10, $0x1;
	s10 =	sld [smem:$0x3FB5];
	_ =	sdelay $0x3  }
0x34: {  	[smem:$0x3FB5] =	sst s10  }
0x35: {  	s10 =	sld [smem:$0x3FB4];
	_ =	sdelay $0x3  }
0x36: {  	p1 =	seq.s32 s10, $0x1;
	s10 =	sld [smem:$0x3FB5];
	_ =	sdelay $0x3  }
0x37: {  	[smem:$0x3FB5] =	sst s10  }
0x38: {  	s10 =	sld [smem:$0x3FB6]  }
0x39: {  	_ = 	snop;
	(pc) =	sbr.ind lr, $3  }
0x3a: {  	_ = 	snop  }
0x3b: {  	_ = 	snop  }
0x3c: {  	p2 =	seq.s32 s10, $0x1;
	s10 =	sld [smem:$0x3FB5]  }
0x3d: {  	_ =	shalt  }
0x3e: {  	_ =	shalt  }
0x3f: {  	_ =	shalt  }
0x40: {  	_ =	shalt  }
0x41: {  	_ =	shalt  }
0x42: {  	_ =	shalt  }
0x43: {  	_ =	shalt  }
0x44: {  	_ =	shalt  }
0x45: {  	_ =	shalt  }
0x46: {  	_ =	shalt  }
0x47: {  	_ =	shalt  }
0x48: {  	_ =	shalt  }
0x49: {  	_ =	shalt  }
0x4a: {  	_ =	shalt  }
0x4b: {  	_ =	shalt  }
0x4c: {  	_ =	shalt  }
0x4d: {  	_ =	shalt  }
0x4e: {  	_ =	shalt  }
0x4f: {  	_ =	shalt  }
0x50: {  	_ =	shalt  }
0x51: {  	_ =	shalt  }
0x52: {  	_ =	shalt  }
0x53: {  	_ =	shalt  }
0x54: {  	_ =	shalt  }
0x55: {  	_ =	shalt  }
0x56: {  	_ =	shalt  }
0x57: {  	_ =	shalt  }
0x58: {  	_ =	shalt  }
0x59: {  	_ =	shalt  }
0x5a: {  	_ =	shalt  }
0x5b: {  	_ =	shalt  }
0x5c: {  	_ =	shalt  }
0x5d: {  	_ =	shalt  }
0x5e: {  	_ =	shalt  }
0x5f: {  	_ =	shalt  }
0x60: {  	_ =	shalt  }
0x61: {  	_ =	shalt  }
0x62: {  	_ =	shalt  }
0x63: {  	_ =	shalt  }
0x64: {  	_ =	shalt  }
0x65: {  	_ =	shalt  }
0x66: {  	_ =	shalt  }
0x67: {  	_ =	shalt  }
0x68: {  	_ =	shalt  }
0x69: {  	_ =	shalt  }
0x6a: {  	_ =	shalt  }
0x6b: {  	_ =	shalt  }
0x6c: {  	_ =	shalt  }
0x6d: {  	_ =	shalt  }
0x6e: {  	_ =	shalt  }
0x6f: {  	_ =	shalt  }
0x70: {  	_ =	shalt  }
0x71: {  	_ =	shalt  }
0x72: {  	_ =	shalt  }
0x73: {  	_ =	shalt  }
0x74: {  	_ =	shalt  }
0x75: {  	_ =	shalt  }
0x76: {  	_ =	shalt  }
0x77: {  	_ =	shalt  }
0x78: {  	_ =	shalt  }
0x79: {  	_ =	shalt  }
0x7a: {  	_ =	shalt  }
0x7b: {  	_ =	shalt  }
0x7c: {  	_ =	shalt  }
0x7d: {  	_ =	shalt  }
0x7e: {  	_ =	shalt  }
0x7f: {  	_ =	shalt  }
0x80: {  	_ =	shalt  }
0x81: {  	_ =	shalt  }
0x82: {  	_ =	shalt  }
0x83: {  	_ =	shalt  }
0x84: {  	_ =	shalt  }
0x85: {  	_ =	shalt  }
0x86: {  	_ =	shalt  }
0x87: {  	_ =	shalt  }
.Lfunc_end0:
.L_simem_size_0:
called_computation_lowered:
.L_overlay_start_0:
0x88: {  	s2 =	sld [smem:$0x3FD9]  }
0x89: {  	s3 =	sld [smem:$0x3FFE];
	_ =	sdelay $0x1  }
0x8a: {  	s1 =	srdreg.scid  }
0x8b: {  	s0 =	sand.u32 $0x1, s1  }
0x8c: {  	s17 =	sshll.u32 s0, $0xA;
	s2 =	sadd.s32 s3, s2  }
0x8d: {  	s2 =	sadd.s32 s2, s17  }
0x8e: {  	[smem:$0x3FC1] =	sst s2  }
0x8f: {  	_ = 	snop  }
0x90: {  	s2 =	sld [smem:$0x3FC8]  }
0x91: {  	s18 =	sld [smem:$0x3FD0];
	(tm) =	ssettm $0x1  }
0x92: {  	s4 =	sld [smem:$0x3FFB];
	_ =	sdelay $0x3  }
0x93: {  	_ =	strace s4  }
0x94: {  	s4 =	sld [smem:$0x3FFC];
	_ =	sdelay $0x3  }
0x95: {  	_ =	strace s4  }
0x96: {  	s4 =	sld [smem:$0x3FFD];
	_ =	sdelay $0x3  }
0x97: {  	_ =	strace s4  }
0x98: {  	_ =	strace $0x8FFFFFFF  }
0x99: {  	s19 =	sld [smem:$0x3FDB];
	_ =	sdelay $0x1  }
0x9a: {  	s5 =	simm.s32 $_scs_section_size  }
0x9b: {  	s6 =	simm.s32 $_size__tile_overlayer_lowered;
	s7 =	simm.s32 $_tile_overlayer_lowered  }
0x9c: {  	s22 =	simm.s32 $0x1BFF;
	s21 =	sshll.u32 s7, $0x1;
	s4 =	sadd.s32 s5, s19  }
0x9d: {  	s8 =	simm.s32 $0x0;
	s20 =	sshll.u32 s6, $0x1;
	s6 =	sadd.s32 s21, s4  }
0x9e: {  	[timem:s8], [sflag:s22] =	dma.local [hbm:s6], s20  }
0x9f: {  	_ =	swait.ge [sflag:s22], s20  }
0xa0: {  	s5 =	ssub.s32 $0x0, s20;
	[sflag:s22] =	ssyncset.done $0x0  }
0xa1: {  	[sflag:s22] =	ssyncadd.s32 s5;
	_ =	sdelay $0x1  }
0xa2: {  	s23 =	simm.s32 $0x1B8B  }
0xa3: {  	_ =	swait.ge [sflag:s23], $0x1  }
0xa4: {  	[sflag:s23] =	ssyncset.done $0x0  }
0xa5: {  	s25 =	simm.s32 $0x1B8E;
	s24 =	sld [smem:$0x3FFE];
	[sflag:s23] =	ssyncadd.s32 $0xFFFFFFFF  }
0xa6: {  	s26 =	simm.s32 $execute0_lowered;
	[smem:$0x3FD2] =	sst s25  }
0xa7: {  	s6 =	sshll.u32 s26, $0x1;
	_ =	strace $0x80000046;
	[dreg:$0x1] =	wrdreg $0xFFFFFFFF  }
0xa8: {  	s28 =	simm.s32 $_size_execute0_lowered;
	s4 =	sadd.s32 s4, s6;
	[dreg:$0x0] =	wrdreg $0x0  }
0xa9: {  	s6 =	sshll.u32 s28, $0x1;
	[dreg:$0x2] =	wrdreg s4  }
0xaa: {  	[dreg:$0x3] =	wrdreg s6  }
0xab: {  	[dreg:$0x4] =	wrdreg $0xC0  }
0xac: {  	_ =	task [dreg:s8], $0x5FFFF  }
0xad: {  	[dreg:$0x1] =	wrdreg $0xFFFFFFFF  }
0xae: {  	[dreg:$0x0] =	wrdreg $0x60  }
0xaf: {  	[dreg:$0x2] =	wrdreg s18  }
0xb0: {  	[dreg:$0x3] =	wrdreg s24  }
0xb1: {  	[dreg:$0x4] =	wrdreg s2  }
0xb2: {  	[dreg:$0x5] =	wrdreg $0x51000  }
0xb3: {  	[dreg:$0x6] =	wrdreg $0x9  }
0xb4: {  	_ =	task.clear_ibuf [dreg:s8], $0x7FFFF;
	_ =	strace $0x90000046  }
0xb5: {  	s29 =	simm.s32 $0x9;
	_ =	strace $0x80000048  }
0xb6: {  	_ =	swait.ge [sflag:s29], $0x1  }
0xb7: {  	[sflag:s29] =	ssyncadd.s32 $0xFFFFFFFF  }
0xb8: {  	_ =	strace $0x90000048  }
0xb9: {  	_ =	sfence  }
0xba: {  	s30 =	sld [smem:$0x0];
	_ =	sdelay $0x2  }
0xbb: {  	s31 =	sshll.u32 s1, $0xD;
	s1 =	sshrl.u32 s1, $0x2  }
0xbc: {  	s3 =	sand.u32 $0x4000, s31;
	s1 =	sadd.s32 s1, s30  }
0xbd: {  	s0 =	sor.u32 s3, s0;
	s1 =	sshll.u32 s1, $0x11  }
0xbe: {  	s0 =	sor.u32 s1, s0  }
0xbf: {  	s0 =	sadd.s32 $0x8F2B, s0  }
0xc0: {  	[sflag:s0] =	ssyncadd.remote.s32 $0x1  }
0xc1: {  	_ =	sfence.sel $0xFFFF  }
0xc2: {  	[dreg:$0x0] =	wrdreg $0xFFFFFFFF;
	(pc) =	sbr.abs _section_cstart, $3  }
0xc3: {  	[dreg:$0x1] =	wrdreg $0xFFFFFFFF  }
0xc4: {  	_ =	task.clear_ibuf [dreg:s8], $0x2FFFF;
	_ =	strace $0x9FFFFFFF  }
0xc5: {  	(tm) =	ssettm $0x7FFFFFFF  }
tec
execute0_lowered:
.L_overlay_start_1:
0x0: {  	(tag) =	ssettag $0x1  }
0x1: {  	s10 =	rddreg [dreg:$0x0]  }
0x2: {  	s6 =	rddreg [dreg:$0x1]  }
0x3: {  	s2 =	rddreg [dreg:$0x2]  }
0x4: {  	s0 =	srdreg.scid;
	s3 =	rddreg [dreg:$0x3]  }
0x5: {  	s1 =	rddreg [dreg:$0x4];
	s5 =	sand.u32 $0x1, s0  }
0x6: {  	s0 =	stileid.u32;
	s7 =	smul.u32 $0x27100, s5  }
0x7: {  	s4 =	simm.s32 $0x0;
	s15 =	simm.s32 $0x50;
	s8 =	smul.u32 $0x2710, s0  }
0x8: {  	s16 =	simm.s32 $0x100;
	[smem:$0x7FF] =	sst s4;
	s19 =	smul.u32 $0x2800, s0  }
0x9: {  	s17 =	simm.s32 $0x1;
	_ =	strace $0x80000047;
	s26 =	smul.u32 $0x28000, s5  }
0xa: {  	s12 =	ssub.s32 $0x2, s5;
	s13 =	smul.u32 $0x50000, s0;
	s5 =	sadd.s32 $0x33600, s6  }
0xb: {  	s31 =	sshll.u32 s0, $0x6;
	s29 =	sshrl.u32 s12, $0x1;
	s7 =	sadd.s32 s8, s7  }
0xc: {  	s28 =	sadd.s32 s19, s6;
	s14 =	sadd.s32 s26, s6;
	s30 =	sshrl.u32 s13, $0x2  }
0xd: {  	s12 =	ssub.s32 s12, s29;
	s11 =	sshrl.u32 s7, $0x3;
	s13 =	sadd.s32 s30, s3  }
0xe: {  	s7 =	sor.u32 $0x1C02, s31;
	s18 =	sadd.s32 $0x33C00, s14;
	s20 =	sadd.s32 $0x83C00, s14  }
0xf: {  	s8 =	smax.u32 s12, $0x1;
	s12 =	simm.s32 $0x2;
	s14 =	simm.s32 $0x80  }
0x10: {  	s9 =	sadd.s32 s11, s6;
	s6 =	sadd.s32 $0xB600, s28;
	s10 =	sadd.s32 s11, s10  }
0x11: {  	s11 =	sshrl.u32 s13, $0x3;
	s13 =	simm.s32 $0x2900;
	s18 =	sadd.s32 s19, s18  }
0x12: {  	s19 =	sadd.s32 s19, s20;
	s20 =	simm.s32 $0x0;
	s9 =	sadd.s32 $0x1800, s9  }
.LBB2_1:
0x13: {  	[spmem:s11], [sflag:s7] =	dma.local [hbm:s6], $0x2800  }
0x14: {  	_ =	swait.ge [sflag:s12], $0x2800  }
0x15: {  	[sflag:s12] =	ssyncset.done $0x0  }
0x16: {  	[sflag:s12] =	ssyncadd.s32 $0xFFFFD800  }
0x17: {  	[tilespmem:s13], [sflag:$0x2] =	stream.linear.gather [hbm4b:s5+s4], $0x2800, $0x38;
	[tilespmem:$0x19100] =	vst v63  }
0x18: {  	_ =	swait.ge [sflag:s12], $0x2800  }
0x19: {  	[sflag:s12] =	ssyncset.done $0x0  }
0x1a: {  	[sflag:s12] =	ssyncadd.s32 $0xFFFFD800  }
0x1b: {  	s21 =	sadd.s32 $0x0, s10;
	[bflag:$0x0] =	sbarrier.arrive $0xFFFF  }
0x1c: {  	[tilespmem:s4], [sflag:$0x2] =	stream.linear.gather [hbm4b:s21+s4], $0x50, $0x38;
	[tilespmem:$0x19100] =	vst v63  }
0x1d: {  	_ =	swait.ge [sflag:s12], $0x50  }
0x1e: {  	[sflag:s12] =	ssyncset.done $0x0  }
0x1f: {  	s31 =	sadd.s32 $0x0, s9;
	[sflag:s12] =	ssyncadd.s32 $0xFFFFFFB0  }
0x20: {  	[tilespmem:s14], [sflag:$0x2] =	stream.linear.gather [hbm4b:s31+s4], $0x50, $0x38;
	[tilespmem:$0x19100] =	vst v63  }
0x21: {  	_ =	swait.ge [sflag:s12], $0x50  }
0x22: {  	[sflag:s12] =	ssyncset.done $0x0  }
0x23: {  	[sflag:s12] =	ssyncadd.s32 $0xFFFFFFB0  }
0x24: {  	[tilespmem:s16], [sflag:$0x1] =	stream.indirect.gather [hbm4b:s2+s15], $0x80, s4, s15, $0xb8;
	[tilespmem:$0x19100] =	vst v63  }
0x25: {  	_ =	swait.ge [sflag:s17], $0x2800  }
0x26: {  	[sflag:s17] =	ssyncset.done $0x0  }
0x27: {  	[sflag:s17] =	ssyncadd.s32 $0xFFFFD800  }
0x28: {  	[spmem:s3] =	stream.indirect.scatter.add.f32 [tilespmem:s16], [sflag:$0x2], $0x80, s14, s15, $0xb8;
	[tilespmem:$0x19100] =	vst v63  }
0x29: {  	_ =	swait.ge [sflag:s12], $0x2800  }
0x2a: {  	s22 =	simm.s32 $0x14;
	s21 =	simm.s32 $0xA;
	[sflag:s12] =	ssyncset.done $0x0  }
.LBB2_2:
0x2b: {  	s23 =	sadd.s32 s21, s10  }
0x2c: {  	[sflag:s12] =	ssyncadd.s32 $0xFFFFD800;
	s24 =	smov.u32 s22;
	s25 =	sadd.s32 $0xA, s22  }
0x2d: {  	[tilespmem:s4], [sflag:$0x2] =	stream.linear.gather [hbm4b:s23+s4], $0x50, $0x38;
	[tilespmem:$0x19100] =	vst v63  }
0x2e: {  	p0 =	sne.s32 s22, $0x4D8;
	_ =	swait.ge [sflag:s12], $0x50  }
0x2f: {  	[sflag:s12] =	ssyncset.done $0x0  }
0x30: {  	s22 =	sadd.s32 s21, s9;
	s21 =	smov.u32 s24;
	[sflag:s12] =	ssyncadd.s32 $0xFFFFFFB0  }
0x31: {  	[tilespmem:s14], [sflag:$0x2] =	stream.linear.gather [hbm4b:s22+s4], $0x50, $0x38;
	[tilespmem:$0x19100] =	vst v63  }
0x32: {  	_ =	swait.ge [sflag:s12], $0x50  }
0x33: {  	[sflag:s12] =	ssyncset.done $0x0  }
0x34: {  	[sflag:s12] =	ssyncadd.s32 $0xFFFFFFB0  }
0x35: {  	[tilespmem:s16], [sflag:$0x1] =	stream.indirect.gather [hbm4b:s2+s15], $0x80, s4, s15, $0xb8;
	[tilespmem:$0x19100] =	vst v63  }
0x36: {  	_ =	swait.ge [sflag:s17], $0x2800  }
.Ltmp0:
0x37: {  	[sflag:s17] =	ssyncset.done $0x0;
	(pc) =	sbr.rel @p0 .LBB2_2-.Ltmp0, $4  }
0x38: {  	[sflag:s17] =	ssyncadd.s32 $0xFFFFD800  }
0x39: {  	[spmem:s3] =	stream.indirect.scatter.add.f32 [tilespmem:s16], [sflag:$0x2], $0x80, s14, s15, $0xb8;
	[tilespmem:$0x19100] =	vst v63  }
0x3a: {  	_ =	swait.ge [sflag:s12], $0x2800  }
0x3b: {  	s22 =	smov.u32 s25;
	[sflag:s12] =	ssyncset.done $0x0  }
0x3c: {  	s22 =	sadd.s32 s21, s10;
	[sflag:s12] =	ssyncadd.s32 $0xFFFFD800  }
0x3d: {  	[tilespmem:s4], [sflag:$0x2] =	stream.linear.gather [hbm4b:s22+s4], $0x50, $0x38;
	[tilespmem:$0x19100] =	vst v63  }
0x3e: {  	_ =	swait.ge [sflag:s12], $0x50  }
0x3f: {  	[sflag:s12] =	ssyncset.done $0x0  }
0x40: {  	s30 =	sadd.s32 s21, s9;
	[sflag:s12] =	ssyncadd.s32 $0xFFFFFFB0  }
0x41: {  	[tilespmem:s14], [sflag:$0x2] =	stream.linear.gather [hbm4b:s30+s4], $0x50, $0x38;
	[tilespmem:$0x19100] =	vst v63  }
0x42: {  	_ =	swait.ge [sflag:s12], $0x50  }
0x43: {  	[sflag:s12] =	ssyncset.done $0x0  }
0x44: {  	[sflag:s12] =	ssyncadd.s32 $0xFFFFFFB0  }
0x45: {  	[tilespmem:s16], [sflag:$0x1] =	stream.indirect.gather [hbm4b:s2+s15], $0x80, s4, s15, $0xb8;
	[tilespmem:$0x19100] =	vst v63  }
0x46: {  	_ =	swait.ge [sflag:s17], $0x2800  }
0x47: {  	[sflag:s17] =	ssyncset.done $0x0  }
0x48: {  	[sflag:s17] =	ssyncadd.s32 $0xFFFFD800  }
0x49: {  	[spmem:s3] =	stream.indirect.scatter.add.f32 [tilespmem:s16], [sflag:$0x2], $0x80, s14, s15, $0xb8;
	[tilespmem:$0x19100] =	vst v63  }
0x4a: {  	_ =	swait.ge [sflag:s12], $0x2800  }
0x4b: {  	[sflag:s12] =	ssyncset.done $0x0  }
0x4c: {  	[sflag:s12] =	ssyncadd.s32 $0xFFFFD800  }
0x4d: {  	[bflag:$0x0] =	sbarrier.arrive $0xFFFF  }
0x4e: {  	[hbm:s18], [sflag:s7] =	dma.local [spmem:s11], $0x2800  }
0x4f: {  	_ =	swait.ge [sflag:s12], $0x2800  }
0x50: {  	[sflag:s12] =	ssyncset.done $0x0  }
0x51: {  	[sflag:s12] =	ssyncadd.s32 $0xFFFFD800  }
0x52: {  	[spmem:s11], [sflag:s7] =	dma.local [hbm:s6], $0x2800  }
0x53: {  	_ =	swait.ge [sflag:s12], $0x2800  }
0x54: {  	[sflag:s12] =	ssyncset.done $0x0  }
0x55: {  	[sflag:s12] =	ssyncadd.s32 $0xFFFFD800  }
0x56: {  	s31 =	sadd.s32 $0x0, s9;
	[bflag:$0x0] =	sbarrier.arrive $0xFFFF  }
0x57: {  	[tilespmem:s14], [sflag:$0x2] =	stream.linear.gather [hbm4b:s31+s4], $0x50, $0x38;
	[tilespmem:$0x19100] =	vst v63  }
0x58: {  	_ =	swait.ge [sflag:s12], $0x50  }
0x59: {  	[sflag:s12] =	ssyncset.done $0x0  }
0x5a: {  	[sflag:s12] =	ssyncadd.s32 $0xFFFFFFB0  }
0x5b: {  	[spmem:s3] =	stream.indirect.scatter.add.f32 [tilespmem:s13], [sflag:$0x2], $0x80, s14, s15, $0xb8;
	[tilespmem:$0x19100] =	vst v63  }
0x5c: {  	_ =	swait.ge [sflag:s12], $0x2800  }
0x5d: {  	s21 =	simm.s32 $0xA;
	s22 =	simm.s32 $0x14;
	[sflag:s12] =	ssyncset.done $0x0  }
.LBB2_4:
0x5e: {  	s23 =	sadd.s32 s21, s9  }
0x5f: {  	[sflag:s12] =	ssyncadd.s32 $0xFFFFD800;
	s21 =	smov.u32 s22;
	s24 =	sadd.s32 $0xA, s22  }
0x60: {  	[tilespmem:s14], [sflag:$0x2] =	stream.linear.gather [hbm4b:s23+s4], $0x50, $0x38;
	[tilespmem:$0x19100] =	vst v63  }
0x61: {  	p0 =	sne.s32 s22, $0x4D8;
	_ =	swait.ge [sflag:s12], $0x50  }
.Ltmp1:
0x62: {  	[sflag:s12] =	ssyncset.done $0x0;
	(pc) =	sbr.rel @p0 .LBB2_4-.Ltmp1, $4  }
0x63: {  	[sflag:s12] =	ssyncadd.s32 $0xFFFFFFB0  }
0x64: {  	[spmem:s3] =	stream.indirect.scatter.add.f32 [tilespmem:s13], [sflag:$0x2], $0x80, s14, s15, $0xb8;
	[tilespmem:$0x19100] =	vst v63  }
0x65: {  	_ =	swait.ge [sflag:s12], $0x2800  }
0x66: {  	s22 =	smov.u32 s24;
	[sflag:s12] =	ssyncset.done $0x0  }
0x67: {  	s21 =	sadd.s32 s21, s9;
	[sflag:s12] =	ssyncadd.s32 $0xFFFFD800  }
0x68: {  	[tilespmem:s14], [sflag:$0x2] =	stream.linear.gather [hbm4b:s21+s4], $0x50, $0x38;
	[tilespmem:$0x19100] =	vst v63  }
0x69: {  	_ =	swait.ge [sflag:s12], $0x50  }
0x6a: {  	[sflag:s12] =	ssyncset.done $0x0  }
0x6b: {  	[sflag:s12] =	ssyncadd.s32 $0xFFFFFFB0  }
0x6c: {  	[spmem:s3] =	stream.indirect.scatter.add.f32 [tilespmem:s13], [sflag:$0x2], $0x80, s14, s15, $0xb8;
	[tilespmem:$0x19100] =	vst v63  }
0x6d: {  	_ =	swait.ge [sflag:s12], $0x2800  }
0x6e: {  	s20 =	sadd.s32 $0x1, s20;
	[sflag:s12] =	ssyncset.done $0x0  }
0x6f: {  	p0 =	sne.s32 s20, s8;
	[sflag:s12] =	ssyncadd.s32 $0xFFFFD800  }
.Ltmp2:
0x70: {  	[bflag:$0x0] =	sbarrier.arrive $0xFFFF;
	(pc) =	sbr.rel @p0 .LBB2_1-.Ltmp2, $4  }
0x71: {  	[hbm:s19], [sflag:s7] =	dma.local [spmem:s11], $0x2800  }
0x72: {  	_ =	swait.ge [sflag:s12], $0x2800  }
0x73: {  	[sflag:s12] =	ssyncset.done $0x0  }
0x74: {  	[sflag:s12] =	ssyncadd.s32 $0xFFFFD800  }
0x75: {  	_ =	sfence.sel $0x180000  }
0x76: {  	[bflag:$0x0] =	sbarrier.arrive $0xFFFF  }
0x77: {  	p0 =	sne.s32 s0, $0x0;
	_ =	strace $0x90000047  }
0x78: {  	s0 =	sadd.s32 @!p0 $0x100000, s1;
	[bflag:$0x2] =	sbarrier.arrive $0xFFFF  }
0x79: {  	[sflag:s0] =	ssyncadd.tile.s32 @!p0 $0x1;
	_ =	shalt  }
.Lfunc_end2:
_tile_overlayer_lowered:
.L_overlay_start_2:
0x7a: {  	(tag) =	ssettag $0x2  }
0x7b: {  	s0 =	rddreg [dreg:$0x0];
	s2 =	stileid.u32  }
0x7c: {  	s1 =	rddreg [dreg:$0x1];
	p0 =	sne.s32 s2, $0x0  }
0x7d: {  	s3 =	rddreg [dreg:$0x2];
	[bflag:$0x3] =	sbarrier.arrive $0xFFFF;
	s2 =	simm.s32 @!p0 $0x1C02  }
0x7e: {  	[timem:s3], [sflag:s2] =	dma.local @!p0 [hbm:s0], s1  }
0x7f: {  	s0 =	simm.s32 @!p0 $0x2  }
0x80: {  	_ =	swait.ge @!p0 [sflag:s0], s1  }
0x81: {  	s1 =	ssub.s32 @!p0 $0x0, s1;
	[sflag:s0] =	ssyncset.done @!p0 $0x0  }
0x82: {  	[sflag:s0] =	ssyncadd.s32 @!p0 s1  }
0x83: {  	[bflag:$0x3] =	sbarrier.arrive $0xFFFF  }
0x84: {  	_ =	shalt  }

</sc_bundles>
